<compile_context>
chip_gen: v7x
topology: tpu7x:2x2x1
jax: 0.10.2.dev20260603
libtpu: 0.0.44.dev20260713+nightly
codegen_flags: <defaults>
</compile_context>

<pallas_src>
import functools

import jax
import jax.numpy as jnp
from jax import lax
from jax.experimental import pallas as pl
from jax.experimental.pallas import tpu as pltpu
from jax.experimental.pallas import tpu_sc as plsc

_K = 256
_N = 8192
_ROWS = 64
_SC_ROWS = 32
_NV = _N // 16
_HSTRIDE = 257
_HSIZE = 16 * 264


def _sc_body(x_hbm, out_hbm, xrow, keys, cbuf, cbuf2, hist, counts):
    wid = lax.axis_index("s") * 2 + lax.axis_index("c")
    iota = lax.iota(jnp.int32, 16)
    lane_base = iota * _HSTRIDE
    ones = jnp.ones((16,), jnp.int32)
    zeros16 = jnp.zeros((16,), jnp.int32)

    def zero_hist():
        @plsc.parallel_loop(0, _HSIZE // 16, unroll=8)
        def _(i):
            hist[pl.ds(i * 16, 16)] = zeros16

    def select(k):

        @plsc.parallel_loop(0, 16, unroll=2)
        def _(g):
            acc = zeros16
            for l in range(16):
                acc = acc + plsc.load_gather(
                    hist, [l * _HSTRIDE + g * 16 + iota]
                )
            counts[pl.ds(g * 16, 16)] = acc

        gtot = zeros16
        for j in range(16):
            gtot = gtot + plsc.load_gather(counts, [iota * 16 + j])

        sfx_g = lax.rev(plsc.cumsum(lax.rev(gtot, (0,))), (0,))
        gsel = jnp.sum((sfx_g >= k).astype(jnp.int32)) - 1
        above_g = jnp.sum(jnp.where(iota == gsel, sfx_g - gtot, 0))

        cv = counts[pl.ds(gsel * 16, 16)]
        sfx_in = lax.rev(plsc.cumsum(lax.rev(cv, (0,))), (0,)) + above_g
        dsel = jnp.sum((sfx_in >= k).astype(jnp.int32)) - 1
        above_d = jnp.sum(jnp.where(iota == dsel, sfx_in - cv, 0))
        nbin = jnp.sum(jnp.where(iota == dsel, cv, 0))
        return gsel * 16 + dsel, above_d, nbin

    row = wid
    pltpu.sync_copy(x_hbm.at[row], xrow)

    zero_hist()

    @plsc.parallel_loop(0, _NV, unroll=8)
    def _(i):
        xv = xrow[pl.ds(i * 16, 16)]
        b = lax.bitcast_convert_type(xv, jnp.int32)
        key = jnp.where(b >= 0, b, b ^ jnp.int32(0x7FFFFFFF))
        keys[pl.ds(i * 16, 16)] = key
        digit = (key >> 24) + 128
        plsc.addupdate_scatter(hist, [lane_base + digit], ones)

    d0, above0, nbin0 = select(_K)
    k1 = _K - above0
    d0v = zeros16 + d0

    @functools.partial(plsc.parallel_loop(0, _NV, unroll=8, carry=zeros16))
    def _(i, off):
        kv = keys[pl.ds(i * 16, 16)]
        m = ((kv >> 24) + 128) == d0v
        pos = off + plsc.cumsum(m.astype(jnp.int32)) - 1
        plsc.store_scatter(cbuf, [pos], kv, mask=m)
        return off + plsc.all_reduce_population_count(m)

    zero_hist()
    nv1 = (nbin0 + 15) // 16
    nb0v = zeros16 + nbin0

    @plsc.parallel_loop(0, nv1, unroll=4)
    def _(i):
        kv = cbuf[pl.ds(i * 16, 16)]
        valid = (i * 16 + iota) < nb0v
        digit = (kv >> 16) & jnp.int32(0xFF)
        plsc.addupdate_scatter(hist, [lane_base + digit], ones, mask=valid)

    d1, above1, nbin1 = select(k1)
    k2 = k1 - above1
    d1v = zeros16 + d1

    @functools.partial(plsc.parallel_loop(0, nv1, unroll=4, carry=zeros16))
    def _(i, off):
        kv = cbuf[pl.ds(i * 16, 16)]
        valid = (i * 16 + iota) < nb0v
        m = (((kv >> 16) & jnp.int32(0xFF)) == d1v) & valid
        pos = off + plsc.cumsum(m.astype(jnp.int32)) - 1
        plsc.store_scatter(cbuf2, [pos], kv, mask=m)
        return off + plsc.all_reduce_population_count(m)

    nv2 = (nbin1 + 15) // 16
    k2v = zeros16 + k2
    nb1v = zeros16 + nbin1
    pref0 = zeros16 + (((d0 - 128) << 24) | (d1 << 16))

    def bit_body(bit, pref):
        cand = pref | (jnp.int32(1) << (15 - bit))

        def cnt_body(v, cnt):
            kv = cbuf2[pl.ds(v * 16, 16)]
            m = (kv >= cand) & ((v * 16 + iota) < nb1v)
            return cnt + plsc.all_reduce_population_count(m)

        cnt = plsc.parallel_loop(0, nv2, unroll=1, carry=zeros16)(cnt_body)
        return jnp.where(cnt >= k2v, cand, pref)

    tk = lax.fori_loop(0, 16, bit_body, pref0)
    tb = jnp.where(tk >= 0, tk, tk ^ jnp.int32(0x7FFFFFFF))
    tf = lax.bitcast_convert_type(tb, jnp.float32)

    @plsc.parallel_loop(0, _NV, unroll=8)
    def _(i):
        xv = xrow[pl.ds(i * 16, 16)]
        xrow[pl.ds(i * 16, 16)] = jnp.where(
            xv >= tf, xv, jnp.zeros((16,), jnp.float32)
        )

    pltpu.sync_copy(xrow, out_hbm.at[row])


def _tc_body(x_ref, o_ref):
    x = x_ref[...]
    rows = _ROWS - _SC_ROWS
    b = jax.lax.bitcast_convert_type(x, jnp.uint32)
    key = jnp.where(b >> 31 == jnp.uint32(1), ~b, b | jnp.uint32(0x80000000))

    def step(i, prefix):
        bit = jnp.uint32(1) << (jnp.uint32(31) - jnp.uint32(i))
        cand = prefix | bit
        cnt = jnp.sum((key >= cand).astype(jnp.int32), axis=-1, keepdims=True)
        return jnp.where(cnt >= _K, cand, prefix)

    prefix = jnp.zeros((rows, 1), jnp.uint32)
    thresh = jax.lax.fori_loop(0, 32, step, prefix)
    tb = jnp.where(thresh >> 31 == jnp.uint32(1), thresh ^ jnp.uint32(0x80000000), ~thresh)
    tf = jax.lax.bitcast_convert_type(tb, jnp.float32)
    o_ref[...] = jnp.where(x >= tf, x, jnp.zeros_like(x))


@jax.jit
def kernel(x):
    mesh = plsc.VectorSubcoreMesh(core_axis_name="c", subcore_axis_name="s")
    sc_fn = functools.partial(
        pl.kernel,
        mesh=mesh,
        out_type=jax.ShapeDtypeStruct((_SC_ROWS, _N), jnp.float32),
        compiler_params=pltpu.CompilerParams(
            needs_layout_passes=False,
            disable_bounds_checks=True,
            disable_semaphore_checks=True,
        ),
        scratch_types=[
            pltpu.VMEM((_N,), jnp.float32),
            pltpu.VMEM((_N,), jnp.int32),
            pltpu.VMEM((_N,), jnp.int32),
            pltpu.VMEM((_N,), jnp.int32),
            pltpu.VMEM((_HSIZE,), jnp.int32),
            pltpu.VMEM((256,), jnp.int32),
        ],
    )(_sc_body)
    sc_out = sc_fn(x)
    tc_out = pl.pallas_call(
        _tc_body,
        grid=(1,),
        in_specs=[
            pl.BlockSpec((_ROWS - _SC_ROWS, _N), lambda i: (1, 0))
        ],
        out_specs=pl.BlockSpec((_ROWS - _SC_ROWS, _N), lambda i: (0, 0)),
        out_shape=jax.ShapeDtypeStruct((_ROWS - _SC_ROWS, _N), x.dtype),
    )(x)
    return jnp.concatenate([sc_out, tc_out], axis=0)

# --- scband reference (transcript-rebuilt; emitter-appended) ---
"""Pipeline reference for scband-smooth-top-k-2662879723714 (READ-ONLY COPY).

The authoritative reference and input builder live on the scoring server;
editing this copy changes nothing except your own understanding.
"""

import jax, jax.numpy as jnp
import numpy as np

K = 256

def setup_inputs(seed: int = 0) -> dict:
    key = jax.random.key(seed)
    x = jax.random.normal(key, (64, 8192), dtype=jnp.float32)
    return {"x": x}

def reference(x):
    # SmoothTopK forward: keep values >= k-th largest along last dim, zero elsewhere
    values, indices = jax.lax.top_k(x, K)
    threshold = jnp.min(values, axis=-1, keepdims=True)
    return jnp.where(x >= threshold, x, jnp.zeros_like(x))

if __name__ == "__main__":
    import jax
    _d = setup_inputs()
    print(jax.jit(kernel)(*tuple(_d.values())))

</pallas_src>

<mosaic_0001>
#map = affine_map<(d0, d1) -> (0, 0)>
module attributes {stable_mosaic.version = 14 : i64} {
  func.func @_sc_body(%arg0: i32, %arg1: i32, %arg2: memref<64x8192xf32, #tpu.memory_space<hbm>>, %arg3: memref<32x8192xf32, #tpu.memory_space<hbm>>, %arg4: memref<8192xf32, #tpu.memory_space<vmem>>, %arg5: memref<8192xi32, #tpu.memory_space<vmem>>, %arg6: memref<8192xi32, #tpu.memory_space<vmem>>, %arg7: memref<8192xi32, #tpu.memory_space<vmem>>, %arg8: memref<4224xi32, #tpu.memory_space<vmem>>, %arg9: memref<256xi32, #tpu.memory_space<vmem>>) attributes {dimension_semantics = [#tpu.dimension_semantics<core_parallel>, #tpu.dimension_semantics<subcore_parallel>], iteration_bounds = array<i64: 2, 16>, scalar_prefetch = 0 : i64, scratch_operands = 6 : i64, tpu.core_type = #tpu.core_type<sc_vector_subcore>, window_params = [{transform_indices = #map}, {transform_indices = #map}]} {
    %mul3A = arith.constant 2 : i32
    %mul3A_0 = arith.muli %arg1, %mul3A : i32
    %add3A = arith.addi %mul3A_0, %arg0 : i32
    %iota3A = tpu.iota {dimensions = array<i32: 0>} : vector<16xi32>
    %mul3A_1 = arith.constant 257 : i32
    %mul3A_2 = vector.broadcast %mul3A_1 : i32 to vector<16xi32>
    %mul3A_3 = arith.muli %iota3A, %mul3A_2 : vector<16xi32>
    %broadcast_in_dim3A = arith.constant 1 : i32
    %broadcast_in_dim3A_4 = vector.broadcast %broadcast_in_dim3A : i32 to vector<16xi32>
    %broadcast_in_dim3A_5 = arith.constant 0 : i32
    %broadcast_in_dim3A_6 = vector.broadcast %broadcast_in_dim3A_5 : i32 to vector<16xi32>
    "tpu.region"() ({
      %run_scoped3A = tpu.sem_alloc : memref<!tpu.dma_semaphore, #tpu.memory_space<semaphore_mem>>
      %dma_start3A = arith.constant 0 : i32
      %dma_start3A_522 = tpu.memref_slice %arg2[%add3A, %dma_start3A] : memref<64x8192xf32, #tpu.memory_space<hbm>> -> memref<1x8192xf32, #tpu.memory_space<hbm>>
      %dma_start3A_523 = tpu.memref_squeeze %dma_start3A_522 : memref<1x8192xf32, #tpu.memory_space<hbm>> -> memref<8192xf32, #tpu.memory_space<hbm>>
      %dma_start3A_524 = arith.constant 0 : i32
      %dma_start3A_525 = tpu.memref_slice %arg2[%add3A, %dma_start3A_524] : memref<64x8192xf32, #tpu.memory_space<hbm>> -> memref<1x8192xf32, #tpu.memory_space<hbm>>
      %dma_start3A_526 = tpu.memref_squeeze %dma_start3A_525 : memref<1x8192xf32, #tpu.memory_space<hbm>> -> memref<8192xf32, #tpu.memory_space<hbm>>
      tpu.enqueue_dma source(%dma_start3A_526 : memref<8192xf32, #tpu.memory_space<hbm>>) target(%arg4 : memref<8192xf32, #tpu.memory_space<vmem>>) target_semaphore(%run_scoped3A : memref<!tpu.dma_semaphore, #tpu.memory_space<semaphore_mem>>)
      %dma_wait3A = arith.constant 0 : i32
      %dma_wait3A_527 = tpu.memref_slice %arg2[%add3A, %dma_wait3A] : memref<64x8192xf32, #tpu.memory_space<hbm>> -> memref<1x8192xf32, #tpu.memory_space<hbm>>
      %dma_wait3A_528 = tpu.memref_squeeze %dma_wait3A_527 : memref<1x8192xf32, #tpu.memory_space<hbm>> -> memref<8192xf32, #tpu.memory_space<hbm>>
      %dma_wait3A_529 = arith.constant 0 : i32
      %dma_wait3A_530 = tpu.memref_slice %arg2[%add3A, %dma_wait3A_529] : memref<64x8192xf32, #tpu.memory_space<hbm>> -> memref<1x8192xf32, #tpu.memory_space<hbm>>
      %dma_wait3A_531 = tpu.memref_squeeze %dma_wait3A_530 : memref<1x8192xf32, #tpu.memory_space<hbm>> -> memref<8192xf32, #tpu.memory_space<hbm>>
      tpu.wait_dma2 semaphore(%run_scoped3A : memref<!tpu.dma_semaphore, #tpu.memory_space<semaphore_mem>>) src(%dma_wait3A_531 : memref<8192xf32, #tpu.memory_space<hbm>>) dst(%arg4 : memref<8192xf32, #tpu.memory_space<vmem>>)
      tpu.yield
    }) : () -> ()
    %parallel_loop3A = arith.constant 0 : i32
    %parallel_loop3A_7 = arith.constant 264 : i32
    %parallel_loop3A_8 = arith.constant 1 : i32
    scf.for %parallel_loop3A_522 = %parallel_loop3A to %parallel_loop3A_7 step %parallel_loop3A_8  : i32 {
      %parallel_loop3A_523 = arith.constant 16 : i32
      %parallel_loop3A_524 = arith.muli %parallel_loop3A_522, %parallel_loop3A_523 : i32
      %parallel_loop3A_525 = arith.index_cast %parallel_loop3A_524 : i32 to index
      %parallel_loop3A_526 = tpu.vector_load %arg8[%parallel_loop3A_525] {strides = array<i32>} : memref<4224xi32, #tpu.memory_space<vmem>>, vector<16xi32>,
      tpu.vector_store %arg8[%parallel_loop3A_525], %broadcast_in_dim3A_6 {strides = array<i32>} : memref<4224xi32, #tpu.memory_space<vmem>>, vector<16xi32>,
    } {sc.loop_unroll_factor = 8 : i64, sc.parallel_access}
    %parallel_loop3A_9 = arith.constant 0 : i32
    %parallel_loop3A_10 = arith.constant 512 : i32
    %parallel_loop3A_11 = arith.constant 1 : i32
    scf.for %parallel_loop3A_522 = %parallel_loop3A_9 to %parallel_loop3A_10 step %parallel_loop3A_11  : i32 {
      %parallel_loop3A_523 = arith.constant 16 : i32
      %parallel_loop3A_524 = arith.muli %parallel_loop3A_522, %parallel_loop3A_523 : i32
      %parallel_loop3A_525 = arith.index_cast %parallel_loop3A_524 : i32 to index
      %parallel_loop3A_526 = tpu.vector_load %arg4[%parallel_loop3A_525] {strides = array<i32>} : memref<8192xf32, #tpu.memory_space<vmem>>, vector<16xf32>,
      %parallel_loop3A_527 = tpu.bitcast %parallel_loop3A_526 : vector<16xf32> -> vector<16xi32>
      %parallel_loop3A_528 = arith.constant 0 : i32
      %parallel_loop3A_529 = vector.broadcast %parallel_loop3A_528 : i32 to vector<16xi32>
      %parallel_loop3A_530 = arith.cmpi sge, %parallel_loop3A_527, %parallel_loop3A_529 : vector<16xi32>
      %parallel_loop3A_531 = arith.constant 2147483647 : i32
      %parallel_loop3A_532 = vector.broadcast %parallel_loop3A_531 : i32 to vector<16xi32>
      %parallel_loop3A_533 = arith.xori %parallel_loop3A_527, %parallel_loop3A_532 : vector<16xi32>
      %parallel_loop3A_534 = arith.select %parallel_loop3A_530, %parallel_loop3A_527, %parallel_loop3A_533 : vector<16xi1>, vector<16xi32>
      %parallel_loop3A_535 = arith.constant 16 : i32
      %parallel_loop3A_536 = arith.muli %parallel_loop3A_522, %parallel_loop3A_535 : i32
      %parallel_loop3A_537 = arith.index_cast %parallel_loop3A_536 : i32 to index
      %parallel_loop3A_538 = tpu.vector_load %arg5[%parallel_loop3A_537] {strides = array<i32>} : memref<8192xi32, #tpu.memory_space<vmem>>, vector<16xi32>,
      tpu.vector_store %arg5[%parallel_loop3A_537], %parallel_loop3A_534 {strides = array<i32>} : memref<8192xi32, #tpu.memory_space<vmem>>, vector<16xi32>,
      %parallel_loop3A_539 = arith.constant 24 : i32
      %parallel_loop3A_540 = vector.broadcast %parallel_loop3A_539 : i32 to vector<16xi32>
      %parallel_loop3A_541 = arith.shrsi %parallel_loop3A_534, %parallel_loop3A_540 : vector<16xi32>
      %parallel_loop3A_542 = arith.constant 128 : i32
      %parallel_loop3A_543 = vector.broadcast %parallel_loop3A_542 : i32 to vector<16xi32>
      %parallel_loop3A_544 = arith.addi %parallel_loop3A_541, %parallel_loop3A_543 : vector<16xi32>
      %parallel_loop3A_545 = arith.addi %mul3A_3, %parallel_loop3A_544 : vector<16xi32>
      tpu.vector_store_idx %arg8[%parallel_loop3A_545], %broadcast_in_dim3A_4 {add = true} : memref<4224xi32, #tpu.memory_space<vmem>>[vector<16xi32>], vector<16xi32>,
    } {sc.loop_unroll_factor = 8 : i64, sc.parallel_access}
    %parallel_loop3A_12 = arith.constant 0 : i32
    %parallel_loop3A_13 = arith.constant 16 : i32
    %parallel_loop3A_14 = arith.constant 1 : i32
    scf.for %parallel_loop3A_522 = %parallel_loop3A_12 to %parallel_loop3A_13 step %parallel_loop3A_14  : i32 {
      %parallel_loop3A_523 = arith.constant 16 : i32
      %parallel_loop3A_524 = arith.muli %parallel_loop3A_522, %parallel_loop3A_523 : i32
      %parallel_loop3A_525 = arith.constant 0 : i32
      %parallel_loop3A_526 = arith.addi %parallel_loop3A_525, %parallel_loop3A_524 : i32
      %parallel_loop3A_527 = vector.broadcast %parallel_loop3A_526 : i32 to vector<16xi32>
      %parallel_loop3A_528 = arith.addi %parallel_loop3A_527, %iota3A : vector<16xi32>
      %parallel_loop3A_529 = tpu.vector_load_idx %arg8[%parallel_loop3A_528] : memref<4224xi32, #tpu.memory_space<vmem>>[vector<16xi32>], vector<16xi32>,
      %parallel_loop3A_530 = arith.addi %broadcast_in_dim3A_6, %parallel_loop3A_529 : vector<16xi32>
      %parallel_loop3A_531 = arith.constant 16 : i32
      %parallel_loop3A_532 = arith.muli %parallel_loop3A_522, %parallel_loop3A_531 : i32
      %parallel_loop3A_533 = arith.constant 257 : i32
      %parallel_loop3A_534 = arith.addi %parallel_loop3A_533, %parallel_loop3A_532 : i32
      %parallel_loop3A_535 = vector.broadcast %parallel_loop3A_534 : i32 to vector<16xi32>
      %parallel_loop3A_536 = arith.addi %parallel_loop3A_535, %iota3A : vector<16xi32>
      %parallel_loop3A_537 = tpu.vector_load_idx %arg8[%parallel_loop3A_536] : memref<4224xi32, #tpu.memory_space<vmem>>[vector<16xi32>], vector<16xi32>,
      %parallel_loop3A_538 = arith.addi %parallel_loop3A_530, %parallel_loop3A_537 : vector<16xi32>
      %parallel_loop3A_539 = arith.constant 16 : i32
      %parallel_loop3A_540 = arith.muli %parallel_loop3A_522, %parallel_loop3A_539 : i32
      %parallel_loop3A_541 = arith.constant 514 : i32
      %parallel_loop3A_542 = arith.addi %parallel_loop3A_541, %parallel_loop3A_540 : i32
      %parallel_loop3A_543 = vector.broadcast %parallel_loop3A_542 : i32 to vector<16xi32>
      %parallel_loop3A_544 = arith.addi %parallel_loop3A_543, %iota3A : vector<16xi32>
      %parallel_loop3A_545 = tpu.vector_load_idx %arg8[%parallel_loop3A_544] : memref<4224xi32, #tpu.memory_space<vmem>>[vector<16xi32>], vector<16xi32>,
      %parallel_loop3A_546 = arith.addi %parallel_loop3A_538, %parallel_loop3A_545 : vector<16xi32>
      %parallel_loop3A_547 = arith.constant 16 : i32
      %parallel_loop3A_548 = arith.muli %parallel_loop3A_522, %parallel_loop3A_547 : i32
      %parallel_loop3A_549 = arith.constant 771 : i32
      %parallel_loop3A_550 = arith.addi %parallel_loop3A_549, %parallel_loop3A_548 : i32
      %parallel_loop3A_551 = vector.broadcast %parallel_loop3A_550 : i32 to vector<16xi32>
      %parallel_loop3A_552 = arith.addi %parallel_loop3A_551, %iota3A : vector<16xi32>
      %parallel_loop3A_553 = tpu.vector_load_idx %arg8[%parallel_loop3A_552] : memref<4224xi32, #tpu.memory_space<vmem>>[vector<16xi32>], vector<16xi32>,
      %parallel_loop3A_554 = arith.addi %parallel_loop3A_546, %parallel_loop3A_553 : vector<16xi32>
      %parallel_loop3A_555 = arith.constant 16 : i32
      %parallel_loop3A_556 = arith.muli %parallel_loop3A_522, %parallel_loop3A_555 : i32
      %parallel_loop3A_557 = arith.constant 1028 : i32
      %parallel_loop3A_558 = arith.addi %parallel_loop3A_557, %parallel_loop3A_556 : i32
      %parallel_loop3A_559 = vector.broadcast %parallel_loop3A_558 : i32 to vector<16xi32>
      %parallel_loop3A_560 = arith.addi %parallel_loop3A_559, %iota3A : vector<16xi32>
      %parallel_loop3A_561 = tpu.vector_load_idx %arg8[%parallel_loop3A_560] : memref<4224xi32, #tpu.memory_space<vmem>>[vector<16xi32>], vector<16xi32>,
      %parallel_loop3A_562 = arith.addi %parallel_loop3A_554, %parallel_loop3A_561 : vector<16xi32>
      %parallel_loop3A_563 = arith.constant 16 : i32
      %parallel_loop3A_564 = arith.muli %parallel_loop3A_522, %parallel_loop3A_563 : i32
      %parallel_loop3A_565 = arith.constant 1285 : i32
      %parallel_loop3A_566 = arith.addi %parallel_loop3A_565, %parallel_loop3A_564 : i32
      %parallel_loop3A_567 = vector.broadcast %parallel_loop3A_566 : i32 to vector<16xi32>
      %parallel_loop3A_568 = arith.addi %parallel_loop3A_567, %iota3A : vector<16xi32>
      %parallel_loop3A_569 = tpu.vector_load_idx %arg8[%parallel_loop3A_568] : memref<4224xi32, #tpu.memory_space<vmem>>[vector<16xi32>], vector<16xi32>,
      %parallel_loop3A_570 = arith.addi %parallel_loop3A_562, %parallel_loop3A_569 : vector<16xi32>
      %parallel_loop3A_571 = arith.constant 16 : i32
      %parallel_loop3A_572 = arith.muli %parallel_loop3A_522, %parallel_loop3A_571 : i32
      %parallel_loop3A_573 = arith.constant 1542 : i32
      %parallel_loop3A_574 = arith.addi %parallel_loop3A_573, %parallel_loop3A_572 : i32
      %parallel_loop3A_575 = vector.broadcast %parallel_loop3A_574 : i32 to vector<16xi32>
      %parallel_loop3A_576 = arith.addi %parallel_loop3A_575, %iota3A : vector<16xi32>
      %parallel_loop3A_577 = tpu.vector_load_idx %arg8[%parallel_loop3A_576] : memref<4224xi32, #tpu.memory_space<vmem>>[vector<16xi32>], vector<16xi32>,
      %parallel_loop3A_578 = arith.addi %parallel_loop3A_570, %parallel_loop3A_577 : vector<16xi32>
      %parallel_loop3A_579 = arith.constant 16 : i32
      %parallel_loop3A_580 = arith.muli %parallel_loop3A_522, %parallel_loop3A_579 : i32
      %parallel_loop3A_581 = arith.constant 1799 : i32
      %parallel_loop3A_582 = arith.addi %parallel_loop3A_581, %parallel_loop3A_580 : i32
      %parallel_loop3A_583 = vector.broadcast %parallel_loop3A_582 : i32 to vector<16xi32>
      %parallel_loop3A_584 = arith.addi %parallel_loop3A_583, %iota3A : vector<16xi32>
      %parallel_loop3A_585 = tpu.vector_load_idx %arg8[%parallel_loop3A_584] : memref<4224xi32, #tpu.memory_space<vmem>>[vector<16xi32>], vector<16xi32>,
      %parallel_loop3A_586 = arith.addi %parallel_loop3A_578, %parallel_loop3A_585 : vector<16xi32>
      %parallel_loop3A_587 = arith.constant 16 : i32
      %parallel_loop3A_588 = arith.muli %parallel_loop3A_522, %parallel_loop3A_587 : i32
      %parallel_loop3A_589 = arith.constant 2056 : i32
      %parallel_loop3A_590 = arith.addi %parallel_loop3A_589, %parallel_loop3A_588 : i32
      %parallel_loop3A_591 = vector.broadcast %parallel_loop3A_590 : i32 to vector<16xi32>
      %parallel_loop3A_592 = arith.addi %parallel_loop3A_591, %iota3A : vector<16xi32>
      %parallel_loop3A_593 = tpu.vector_load_idx %arg8[%parallel_loop3A_592] : memref<4224xi32, #tpu.memory_space<vmem>>[vector<16xi32>], vector<16xi32>,
      %parallel_loop3A_594 = arith.addi %parallel_loop3A_586, %parallel_loop3A_593 : vector<16xi32>
      %parallel_loop3A_595 = arith.constant 16 : i32
      %parallel_loop3A_596 = arith.muli %parallel_loop3A_522, %parallel_loop3A_595 : i32
      %parallel_loop3A_597 = arith.constant 2313 : i32
      %parallel_loop3A_598 = arith.addi %parallel_loop3A_597, %parallel_loop3A_596 : i32
      %parallel_loop3A_599 = vector.broadcast %parallel_loop3A_598 : i32 to vector<16xi32>
      %parallel_loop3A_600 = arith.addi %parallel_loop3A_599, %iota3A : vector<16xi32>
      %parallel_loop3A_601 = tpu.vector_load_idx %arg8[%parallel_loop3A_600] : memref<4224xi32, #tpu.memory_space<vmem>>[vector<16xi32>], vector<16xi32>,
      %parallel_loop3A_602 = arith.addi %parallel_loop3A_594, %parallel_loop3A_601 : vector<16xi32>
      %parallel_loop3A_603 = arith.constant 16 : i32
      %parallel_loop3A_604 = arith.muli %parallel_loop3A_522, %parallel_loop3A_603 : i32
      %parallel_loop3A_605 = arith.constant 2570 : i32
      %parallel_loop3A_606 = arith.addi %parallel_loop3A_605, %parallel_loop3A_604 : i32
      %parallel_loop3A_607 = vector.broadcast %parallel_loop3A_606 : i32 to vector<16xi32>
      %parallel_loop3A_608 = arith.addi %parallel_loop3A_607, %iota3A : vector<16xi32>
      %parallel_loop3A_609 = tpu.vector_load_idx %arg8[%parallel_loop3A_608] : memref<4224xi32, #tpu.memory_space<vmem>>[vector<16xi32>], vector<16xi32>,
      %parallel_loop3A_610 = arith.addi %parallel_loop3A_602, %parallel_loop3A_609 : vector<16xi32>
      %parallel_loop3A_611 = arith.constant 16 : i32
      %parallel_loop3A_612 = arith.muli %parallel_loop3A_522, %parallel_loop3A_611 : i32
      %parallel_loop3A_613 = arith.constant 2827 : i32
      %parallel_loop3A_614 = arith.addi %parallel_loop3A_613, %parallel_loop3A_612 : i32
      %parallel_loop3A_615 = vector.broadcast %parallel_loop3A_614 : i32 to vector<16xi32>
      %parallel_loop3A_616 = arith.addi %parallel_loop3A_615, %iota3A : vector<16xi32>
      %parallel_loop3A_617 = tpu.vector_load_idx %arg8[%parallel_loop3A_616] : memref<4224xi32, #tpu.memory_space<vmem>>[vector<16xi32>], vector<16xi32>,
      %parallel_loop3A_618 = arith.addi %parallel_loop3A_610, %parallel_loop3A_617 : vector<16xi32>
      %parallel_loop3A_619 = arith.constant 16 : i32
      %parallel_loop3A_620 = arith.muli %parallel_loop3A_522, %parallel_loop3A_619 : i32
      %parallel_loop3A_621 = arith.constant 3084 : i32
      %parallel_loop3A_622 = arith.addi %parallel_loop3A_621, %parallel_loop3A_620 : i32
      %parallel_loop3A_623 = vector.broadcast %parallel_loop3A_622 : i32 to vector<16xi32>
      %parallel_loop3A_624 = arith.addi %parallel_loop3A_623, %iota3A : vector<16xi32>
      %parallel_loop3A_625 = tpu.vector_load_idx %arg8[%parallel_loop3A_624] : memref<4224xi32, #tpu.memory_space<vmem>>[vector<16xi32>], vector<16xi32>,
      %parallel_loop3A_626 = arith.addi %parallel_loop3A_618, %parallel_loop3A_625 : vector<16xi32>
      %parallel_loop3A_627 = arith.constant 16 : i32
      %parallel_loop3A_628 = arith.muli %parallel_loop3A_522, %parallel_loop3A_627 : i32
      %parallel_loop3A_629 = arith.constant 3341 : i32
      %parallel_loop3A_630 = arith.addi %parallel_loop3A_629, %parallel_loop3A_628 : i32
      %parallel_loop3A_631 = vector.broadcast %parallel_loop3A_630 : i32 to vector<16xi32>
      %parallel_loop3A_632 = arith.addi %parallel_loop3A_631, %iota3A : vector<16xi32>
      %parallel_loop3A_633 = tpu.vector_load_idx %arg8[%parallel_loop3A_632] : memref<4224xi32, #tpu.memory_space<vmem>>[vector<16xi32>], vector<16xi32>,
      %parallel_loop3A_634 = arith.addi %parallel_loop3A_626, %parallel_loop3A_633 : vector<16xi32>
      %parallel_loop3A_635 = arith.constant 16 : i32
      %parallel_loop3A_636 = arith.muli %parallel_loop3A_522, %parallel_loop3A_635 : i32
      %parallel_loop3A_637 = arith.constant 3598 : i32
      %parallel_loop3A_638 = arith.addi %parallel_loop3A_637, %parallel_loop3A_636 : i32
      %parallel_loop3A_639 = vector.broadcast %parallel_loop3A_638 : i32 to vector<16xi32>
      %parallel_loop3A_640 = arith.addi %parallel_loop3A_639, %iota3A : vector<16xi32>
      %parallel_loop3A_641 = tpu.vector_load_idx %arg8[%parallel_loop3A_640] : memref<4224xi32, #tpu.memory_space<vmem>>[vector<16xi32>], vector<16xi32>,
      %parallel_loop3A_642 = arith.addi %parallel_loop3A_634, %parallel_loop3A_641 : vector<16xi32>
      %parallel_loop3A_643 = arith.constant 16 : i32
      %parallel_loop3A_644 = arith.muli %parallel_loop3A_522, %parallel_loop3A_643 : i32
      %parallel_loop3A_645 = arith.constant 3855 : i32
      %parallel_loop3A_646 = arith.addi %parallel_loop3A_645, %parallel_loop3A_644 : i32
      %parallel_loop3A_647 = vector.broadcast %parallel_loop3A_646 : i32 to vector<16xi32>
      %parallel_loop3A_648 = arith.addi %parallel_loop3A_647, %iota3A : vector<16xi32>
      %parallel_loop3A_649 = tpu.vector_load_idx %arg8[%parallel_loop3A_648] : memref<4224xi32, #tpu.memory_space<vmem>>[vector<16xi32>], vector<16xi32>,
      %parallel_loop3A_650 = arith.addi %parallel_loop3A_642, %parallel_loop3A_649 : vector<16xi32>
      %parallel_loop3A_651 = arith.constant 16 : i32
      %parallel_loop3A_652 = arith.muli %parallel_loop3A_522, %parallel_loop3A_651 : i32
      %parallel_loop3A_653 = arith.index_cast %parallel_loop3A_652 : i32 to index
      %parallel_loop3A_654 = tpu.vector_load %arg9[%parallel_loop3A_653] {strides = array<i32>} : memref<256xi32, #tpu.memory_space<vmem>>, vector<16xi32>,
      tpu.vector_store %arg9[%parallel_loop3A_653], %parallel_loop3A_650 {strides = array<i32>} : memref<256xi32, #tpu.memory_space<vmem>>, vector<16xi32>,
    } {sc.loop_unroll_factor = 2 : i64, sc.parallel_access}
    %mul3A_15 = arith.constant 16 : i32
    %mul3A_16 = vector.broadcast %mul3A_15 : i32 to vector<16xi32>
    %mul3A_17 = arith.muli %iota3A, %mul3A_16 : vector<16xi32>
    %add3A_18 = arith.constant 0 : i32
    %add3A_19 = vector.broadcast %add3A_18 : i32 to vector<16xi32>
    %add3A_20 = arith.addi %mul3A_17, %add3A_19 : vector<16xi32>
    %gather3A = tpu.vector_load_idx %arg9[%add3A_20] : memref<256xi32, #tpu.memory_space<vmem>>[vector<16xi32>], vector<16xi32>,
    %add3A_21 = arith.addi %broadcast_in_dim3A_6, %gather3A : vector<16xi32>
    %mul3A_22 = arith.constant 16 : i32
    %mul3A_23 = vector.broadcast %mul3A_22 : i32 to vector<16xi32>
    %mul3A_24 = arith.muli %iota3A, %mul3A_23 : vector<16xi32>
    %add3A_25 = arith.constant 1 : i32
    %add3A_26 = vector.broadcast %add3A_25 : i32 to vector<16xi32>
    %add3A_27 = arith.addi %mul3A_24, %add3A_26 : vector<16xi32>
    %gather3A_28 = tpu.vector_load_idx %arg9[%add3A_27] : memref<256xi32, #tpu.memory_space<vmem>>[vector<16xi32>], vector<16xi32>,
    %add3A_29 = arith.addi %add3A_21, %gather3A_28 : vector<16xi32>
    %mul3A_30 = arith.constant 16 : i32
    %mul3A_31 = vector.broadcast %mul3A_30 : i32 to vector<16xi32>
    %mul3A_32 = arith.muli %iota3A, %mul3A_31 : vector<16xi32>
    %add3A_33 = arith.constant 2 : i32
    %add3A_34 = vector.broadcast %add3A_33 : i32 to vector<16xi32>
    %add3A_35 = arith.addi %mul3A_32, %add3A_34 : vector<16xi32>
    %gather3A_36 = tpu.vector_load_idx %arg9[%add3A_35] : memref<256xi32, #tpu.memory_space<vmem>>[vector<16xi32>], vector<16xi32>,
    %add3A_37 = arith.addi %add3A_29, %gather3A_36 : vector<16xi32>
    %mul3A_38 = arith.constant 16 : i32
    %mul3A_39 = vector.broadcast %mul3A_38 : i32 to vector<16xi32>
    %mul3A_40 = arith.muli %iota3A, %mul3A_39 : vector<16xi32>
    %add3A_41 = arith.constant 3 : i32
    %add3A_42 = vector.broadcast %add3A_41 : i32 to vector<16xi32>
    %add3A_43 = arith.addi %mul3A_40, %add3A_42 : vector<16xi32>
    %gather3A_44 = tpu.vector_load_idx %arg9[%add3A_43] : memref<256xi32, #tpu.memory_space<vmem>>[vector<16xi32>], vector<16xi32>,
    %add3A_45 = arith.addi %add3A_37, %gather3A_44 : vector<16xi32>
    %mul3A_46 = arith.constant 16 : i32
    %mul3A_47 = vector.broadcast %mul3A_46 : i32 to vector<16xi32>
    %mul3A_48 = arith.muli %iota3A, %mul3A_47 : vector<16xi32>
    %add3A_49 = arith.constant 4 : i32
    %add3A_50 = vector.broadcast %add3A_49 : i32 to vector<16xi32>
    %add3A_51 = arith.addi %mul3A_48, %add3A_50 : vector<16xi32>
    %gather3A_52 = tpu.vector_load_idx %arg9[%add3A_51] : memref<256xi32, #tpu.memory_space<vmem>>[vector<16xi32>], vector<16xi32>,
    %add3A_53 = arith.addi %add3A_45, %gather3A_52 : vector<16xi32>
    %mul3A_54 = arith.constant 16 : i32
    %mul3A_55 = vector.broadcast %mul3A_54 : i32 to vector<16xi32>
    %mul3A_56 = arith.muli %iota3A, %mul3A_55 : vector<16xi32>
    %add3A_57 = arith.constant 5 : i32
    %add3A_58 = vector.broadcast %add3A_57 : i32 to vector<16xi32>
    %add3A_59 = arith.addi %mul3A_56, %add3A_58 : vector<16xi32>
    %gather3A_60 = tpu.vector_load_idx %arg9[%add3A_59] : memref<256xi32, #tpu.memory_space<vmem>>[vector<16xi32>], vector<16xi32>,
    %add3A_61 = arith.addi %add3A_53, %gather3A_60 : vector<16xi32>
    %mul3A_62 = arith.constant 16 : i32
    %mul3A_63 = vector.broadcast %mul3A_62 : i32 to vector<16xi32>
    %mul3A_64 = arith.muli %iota3A, %mul3A_63 : vector<16xi32>
    %add3A_65 = arith.constant 6 : i32
    %add3A_66 = vector.broadcast %add3A_65 : i32 to vector<16xi32>
    %add3A_67 = arith.addi %mul3A_64, %add3A_66 : vector<16xi32>
    %gather3A_68 = tpu.vector_load_idx %arg9[%add3A_67] : memref<256xi32, #tpu.memory_space<vmem>>[vector<16xi32>], vector<16xi32>,
    %add3A_69 = arith.addi %add3A_61, %gather3A_68 : vector<16xi32>
    %mul3A_70 = arith.constant 16 : i32
    %mul3A_71 = vector.broadcast %mul3A_70 : i32 to vector<16xi32>
    %mul3A_72 = arith.muli %iota3A, %mul3A_71 : vector<16xi32>
    %add3A_73 = arith.constant 7 : i32
    %add3A_74 = vector.broadcast %add3A_73 : i32 to vector<16xi32>
    %add3A_75 = arith.addi %mul3A_72, %add3A_74 : vector<16xi32>
    %gather3A_76 = tpu.vector_load_idx %arg9[%add3A_75] : memref<256xi32, #tpu.memory_space<vmem>>[vector<16xi32>], vector<16xi32>,
    %add3A_77 = arith.addi %add3A_69, %gather3A_76 : vector<16xi32>
    %mul3A_78 = arith.constant 16 : i32
    %mul3A_79 = vector.broadcast %mul3A_78 : i32 to vector<16xi32>
    %mul3A_80 = arith.muli %iota3A, %mul3A_79 : vector<16xi32>
    %add3A_81 = arith.constant 8 : i32
    %add3A_82 = vector.broadcast %add3A_81 : i32 to vector<16xi32>
    %add3A_83 = arith.addi %mul3A_80, %add3A_82 : vector<16xi32>
    %gather3A_84 = tpu.vector_load_idx %arg9[%add3A_83] : memref<256xi32, #tpu.memory_space<vmem>>[vector<16xi32>], vector<16xi32>,
    %add3A_85 = arith.addi %add3A_77, %gather3A_84 : vector<16xi32>
    %mul3A_86 = arith.constant 16 : i32
    %mul3A_87 = vector.broadcast %mul3A_86 : i32 to vector<16xi32>
    %mul3A_88 = arith.muli %iota3A, %mul3A_87 : vector<16xi32>
    %add3A_89 = arith.constant 9 : i32
    %add3A_90 = vector.broadcast %add3A_89 : i32 to vector<16xi32>
    %add3A_91 = arith.addi %mul3A_88, %add3A_90 : vector<16xi32>
    %gather3A_92 = tpu.vector_load_idx %arg9[%add3A_91] : memref<256xi32, #tpu.memory_space<vmem>>[vector<16xi32>], vector<16xi32>,
    %add3A_93 = arith.addi %add3A_85, %gather3A_92 : vector<16xi32>
    %mul3A_94 = arith.constant 16 : i32
    %mul3A_95 = vector.broadcast %mul3A_94 : i32 to vector<16xi32>
    %mul3A_96 = arith.muli %iota3A, %mul3A_95 : vector<16xi32>
    %add3A_97 = arith.constant 10 : i32
    %add3A_98 = vector.broadcast %add3A_97 : i32 to vector<16xi32>
    %add3A_99 = arith.addi %mul3A_96, %add3A_98 : vector<16xi32>
    %gather3A_100 = tpu.vector_load_idx %arg9[%add3A_99] : memref<256xi32, #tpu.memory_space<vmem>>[vector<16xi32>], vector<16xi32>,
    %add3A_101 = arith.addi %add3A_93, %gather3A_100 : vector<16xi32>
    %mul3A_102 = arith.constant 16 : i32
    %mul3A_103 = vector.broadcast %mul3A_102 : i32 to vector<16xi32>
    %mul3A_104 = arith.muli %iota3A, %mul3A_103 : vector<16xi32>
    %add3A_105 = arith.constant 11 : i32
    %add3A_106 = vector.broadcast %add3A_105 : i32 to vector<16xi32>
    %add3A_107 = arith.addi %mul3A_104, %add3A_106 : vector<16xi32>
    %gather3A_108 = tpu.vector_load_idx %arg9[%add3A_107] : memref<256xi32, #tpu.memory_space<vmem>>[vector<16xi32>], vector<16xi32>,
    %add3A_109 = arith.addi %add3A_101, %gather3A_108 : vector<16xi32>
    %mul3A_110 = arith.constant 16 : i32
    %mul3A_111 = vector.broadcast %mul3A_110 : i32 to vector<16xi32>
    %mul3A_112 = arith.muli %iota3A, %mul3A_111 : vector<16xi32>
    %add3A_113 = arith.constant 12 : i32
    %add3A_114 = vector.broadcast %add3A_113 : i32 to vector<16xi32>
    %add3A_115 = arith.addi %mul3A_112, %add3A_114 : vector<16xi32>
    %gather3A_116 = tpu.vector_load_idx %arg9[%add3A_115] : memref<256xi32, #tpu.memory_space<vmem>>[vector<16xi32>], vector<16xi32>,
    %add3A_117 = arith.addi %add3A_109, %gather3A_116 : vector<16xi32>
    %mul3A_118 = arith.constant 16 : i32
    %mul3A_119 = vector.broadcast %mul3A_118 : i32 to vector<16xi32>
    %mul3A_120 = arith.muli %iota3A, %mul3A_119 : vector<16xi32>
    %add3A_121 = arith.constant 13 : i32
    %add3A_122 = vector.broadcast %add3A_121 : i32 to vector<16xi32>
    %add3A_123 = arith.addi %mul3A_120, %add3A_122 : vector<16xi32>
    %gather3A_124 = tpu.vector_load_idx %arg9[%add3A_123] : memref<256xi32, #tpu.memory_space<vmem>>[vector<16xi32>], vector<16xi32>,
    %add3A_125 = arith.addi %add3A_117, %gather3A_124 : vector<16xi32>
    %mul3A_126 = arith.constant 16 : i32
    %mul3A_127 = vector.broadcast %mul3A_126 : i32 to vector<16xi32>
    %mul3A_128 = arith.muli %iota3A, %mul3A_127 : vector<16xi32>
    %add3A_129 = arith.constant 14 : i32
    %add3A_130 = vector.broadcast %add3A_129 : i32 to vector<16xi32>
    %add3A_131 = arith.addi %mul3A_128, %add3A_130 : vector<16xi32>
    %gather3A_132 = tpu.vector_load_idx %arg9[%add3A_131] : memref<256xi32, #tpu.memory_space<vmem>>[vector<16xi32>], vector<16xi32>,
    %add3A_133 = arith.addi %add3A_125, %gather3A_132 : vector<16xi32>
    %mul3A_134 = arith.constant 16 : i32
    %mul3A_135 = vector.broadcast %mul3A_134 : i32 to vector<16xi32>
    %mul3A_136 = arith.muli %iota3A, %mul3A_135 : vector<16xi32>
    %add3A_137 = arith.constant 15 : i32
    %add3A_138 = vector.broadcast %add3A_137 : i32 to vector<16xi32>
    %add3A_139 = arith.addi %mul3A_136, %add3A_138 : vector<16xi32>
    %gather3A_140 = tpu.vector_load_idx %arg9[%add3A_139] : memref<256xi32, #tpu.memory_space<vmem>>[vector<16xi32>], vector<16xi32>,
    %add3A_141 = arith.addi %add3A_133, %gather3A_140 : vector<16xi32>
    %rev3A = arith.constant 15 : i32
    %rev3A_142 = vector.broadcast %rev3A : i32 to vector<16xi32>
    %rev3A_143 = tpu.iota {dimensions = array<i32: 0>} : vector<16xi32>
    %rev3A_144 = arith.subi %rev3A_142, %rev3A_143 : vector<16xi32>
    %rev3A_145 = tpu.dynamic_gather %add3A_141[%rev3A_144] in [0] : vector<16xi32>, vector<16xi32> -> vector<16xi32>
    %broadcast_in_dim3A_146 = arith.constant true
    %broadcast_in_dim3A_147 = vector.broadcast %broadcast_in_dim3A_146 : i1 to vector<16xi1>
    %masked_cumsum3A = tpu.scan <sum>, %rev3A_145 masked %broadcast_in_dim3A_147 : vector<16xi32>, vector<16xi1> -> vector<16xi32>
    %rev3A_148 = arith.constant 15 : i32
    %rev3A_149 = vector.broadcast %rev3A_148 : i32 to vector<16xi32>
    %rev3A_150 = tpu.iota {dimensions = array<i32: 0>} : vector<16xi32>
    %rev3A_151 = arith.subi %rev3A_149, %rev3A_150 : vector<16xi32>
    %rev3A_152 = tpu.dynamic_gather %masked_cumsum3A[%rev3A_151] in [0] : vector<16xi32>, vector<16xi32> -> vector<16xi32>
    %ge3A = arith.constant 256 : i32
    %ge3A_153 = vector.broadcast %ge3A : i32 to vector<16xi32>
    %ge3A_154 = arith.cmpi sge, %rev3A_152, %ge3A_153 : vector<16xi32>
    %convert_element_type3A = arith.extui %ge3A_154 : vector<16xi1> to vector<16xi32>
    %reduce_sum3A = arith.constant true
    %reduce_sum3A_155 = vector.broadcast %reduce_sum3A : i1 to vector<16xi1>
    %reduce_sum3A_156 = tpu.scan <sum>, %convert_element_type3A masked %reduce_sum3A_155 : vector<16xi32>, vector<16xi1> -> vector<16xi32>
    %reduce_sum3A_157 = vector.extract %reduce_sum3A_156[15] : i32 from vector<16xi32>
    %sub3A = arith.constant 1 : i32
    %sub3A_158 = arith.subi %reduce_sum3A_157, %sub3A : i32
    %eq3A = vector.broadcast %sub3A_158 : i32 to vector<16xi32>
    %eq3A_159 = arith.cmpi eq, %iota3A, %eq3A : vector<16xi32>
    %sub3A_160 = arith.subi %rev3A_152, %add3A_141 : vector<16xi32>
    %jit3A = arith.constant 0 : i32
    %broadcast_in_dim3A_161 = vector.broadcast %jit3A : i32 to vector<16xi32>
    %select_n3A = arith.select %eq3A_159, %sub3A_160, %broadcast_in_dim3A_161 : vector<16xi1>, vector<16xi32>
    %reduce_sum3A_162 = arith.constant true
    %reduce_sum3A_163 = vector.broadcast %reduce_sum3A_162 : i1 to vector<16xi1>
    %reduce_sum3A_164 = tpu.scan <sum>, %select_n3A masked %reduce_sum3A_163 : vector<16xi32>, vector<16xi1> -> vector<16xi32>
    %reduce_sum3A_165 = vector.extract %reduce_sum3A_164[15] : i32 from vector<16xi32>
    %mul3A_166 = arith.constant 16 : i32
    %mul3A_167 = arith.muli %sub3A_158, %mul3A_166 : i32
    %get3A = arith.index_cast %mul3A_167 : i32 to index
    %get3A_168 = tpu.vector_load %arg9[%get3A] {strides = array<i32>} : memref<256xi32, #tpu.memory_space<vmem>>, vector<16xi32>,
    %rev3A_169 = arith.constant 15 : i32
    %rev3A_170 = vector.broadcast %rev3A_169 : i32 to vector<16xi32>
    %rev3A_171 = tpu.iota {dimensions = array<i32: 0>} : vector<16xi32>
    %rev3A_172 = arith.subi %rev3A_170, %rev3A_171 : vector<16xi32>
    %rev3A_173 = tpu.dynamic_gather %get3A_168[%rev3A_172] in [0] : vector<16xi32>, vector<16xi32> -> vector<16xi32>
    %broadcast_in_dim3A_174 = arith.constant true
    %broadcast_in_dim3A_175 = vector.broadcast %broadcast_in_dim3A_174 : i1 to vector<16xi1>
    %masked_cumsum3A_176 = tpu.scan <sum>, %rev3A_173 masked %broadcast_in_dim3A_175 : vector<16xi32>, vector<16xi1> -> vector<16xi32>
    %rev3A_177 = arith.constant 15 : i32
    %rev3A_178 = vector.broadcast %rev3A_177 : i32 to vector<16xi32>
    %rev3A_179 = tpu.iota {dimensions = array<i32: 0>} : vector<16xi32>
    %rev3A_180 = arith.subi %rev3A_178, %rev3A_179 : vector<16xi32>
    %rev3A_181 = tpu.dynamic_gather %masked_cumsum3A_176[%rev3A_180] in [0] : vector<16xi32>, vector<16xi32> -> vector<16xi32>
    %add3A_182 = vector.broadcast %reduce_sum3A_165 : i32 to vector<16xi32>
    %add3A_183 = arith.addi %rev3A_181, %add3A_182 : vector<16xi32>
    %ge3A_184 = arith.constant 256 : i32
    %ge3A_185 = vector.broadcast %ge3A_184 : i32 to vector<16xi32>
    %ge3A_186 = arith.cmpi sge, %add3A_183, %ge3A_185 : vector<16xi32>
    %convert_element_type3A_187 = arith.extui %ge3A_186 : vector<16xi1> to vector<16xi32>
    %reduce_sum3A_188 = arith.constant true
    %reduce_sum3A_189 = vector.broadcast %reduce_sum3A_188 : i1 to vector<16xi1>
    %reduce_sum3A_190 = tpu.scan <sum>, %convert_element_type3A_187 masked %reduce_sum3A_189 : vector<16xi32>, vector<16xi1> -> vector<16xi32>
    %reduce_sum3A_191 = vector.extract %reduce_sum3A_190[15] : i32 from vector<16xi32>
    %sub3A_192 = arith.constant 1 : i32
    %sub3A_193 = arith.subi %reduce_sum3A_191, %sub3A_192 : i32
    %eq3A_194 = vector.broadcast %sub3A_193 : i32 to vector<16xi32>
    %eq3A_195 = arith.cmpi eq, %iota3A, %eq3A_194 : vector<16xi32>
    %sub3A_196 = arith.subi %add3A_183, %get3A_168 : vector<16xi32>
    %jit3A_197 = arith.constant 0 : i32
    %broadcast_in_dim3A_198 = vector.broadcast %jit3A_197 : i32 to vector<16xi32>
    %select_n3A_199 = arith.select %eq3A_195, %sub3A_196, %broadcast_in_dim3A_198 : vector<16xi1>, vector<16xi32>
    %reduce_sum3A_200 = arith.constant true
    %reduce_sum3A_201 = vector.broadcast %reduce_sum3A_200 : i1 to vector<16xi1>
    %reduce_sum3A_202 = tpu.scan <sum>, %select_n3A_199 masked %reduce_sum3A_201 : vector<16xi32>, vector<16xi1> -> vector<16xi32>
    %reduce_sum3A_203 = vector.extract %reduce_sum3A_202[15] : i32 from vector<16xi32>
    %eq3A_204 = vector.broadcast %sub3A_193 : i32 to vector<16xi32>
    %eq3A_205 = arith.cmpi eq, %iota3A, %eq3A_204 : vector<16xi32>
    %jit3A_206 = arith.constant 0 : i32
    %broadcast_in_dim3A_207 = vector.broadcast %jit3A_206 : i32 to vector<16xi32>
    %select_n3A_208 = arith.select %eq3A_205, %get3A_168, %broadcast_in_dim3A_207 : vector<16xi1>, vector<16xi32>
    %reduce_sum3A_209 = arith.constant true
    %reduce_sum3A_210 = vector.broadcast %reduce_sum3A_209 : i1 to vector<16xi1>
    %reduce_sum3A_211 = tpu.scan <sum>, %select_n3A_208 masked %reduce_sum3A_210 : vector<16xi32>, vector<16xi1> -> vector<16xi32>
    %reduce_sum3A_212 = vector.extract %reduce_sum3A_211[15] : i32 from vector<16xi32>
    %mul3A_213 = arith.constant 16 : i32
    %mul3A_214 = arith.muli %sub3A_158, %mul3A_213 : i32
    %add3A_215 = arith.addi %mul3A_214, %sub3A_193 : i32
    %sub3A_216 = arith.constant 256 : i32
    %sub3A_217 = arith.subi %sub3A_216, %reduce_sum3A_203 : i32
    %add3A_218 = vector.broadcast %add3A_215 : i32 to vector<16xi32>
    %add3A_219 = arith.addi %broadcast_in_dim3A_6, %add3A_218 : vector<16xi32>
    %parallel_loop3A_220 = arith.constant 0 : i32
    %parallel_loop3A_221 = arith.constant 512 : i32
    %parallel_loop3A_222 = arith.constant 1 : i32
    %parallel_loop3A_223 = scf.for %parallel_loop3A_522 = %parallel_loop3A_220 to %parallel_loop3A_221 step %parallel_loop3A_222 iter_args(%parallel_loop3A_523 = %broadcast_in_dim3A_6) -> (vector<16xi32>)  : i32 {
      %parallel_loop3A_524 = arith.constant 16 : i32
      %parallel_loop3A_525 = arith.muli %parallel_loop3A_522, %parallel_loop3A_524 : i32
      %parallel_loop3A_526 = arith.index_cast %parallel_loop3A_525 : i32 to index
      %parallel_loop3A_527 = tpu.vector_load %arg5[%parallel_loop3A_526] {strides = array<i32>} : memref<8192xi32, #tpu.memory_space<vmem>>, vector<16xi32>,
      %parallel_loop3A_528 = arith.constant 24 : i32
      %parallel_loop3A_529 = vector.broadcast %parallel_loop3A_528 : i32 to vector<16xi32>
      %parallel_loop3A_530 = arith.shrsi %parallel_loop3A_527, %parallel_loop3A_529 : vector<16xi32>
      %parallel_loop3A_531 = arith.constant 128 : i32
      %parallel_loop3A_532 = vector.broadcast %parallel_loop3A_531 : i32 to vector<16xi32>
      %parallel_loop3A_533 = arith.addi %parallel_loop3A_530, %parallel_loop3A_532 : vector<16xi32>
      %parallel_loop3A_534 = arith.cmpi eq, %parallel_loop3A_533, %add3A_219 : vector<16xi32>
      %parallel_loop3A_535 = arith.extui %parallel_loop3A_534 : vector<16xi1> to vector<16xi32>
      %parallel_loop3A_536 = arith.constant true
      %parallel_loop3A_537 = vector.broadcast %parallel_loop3A_536 : i1 to vector<16xi1>
      %parallel_loop3A_538 = tpu.scan <sum>, %parallel_loop3A_535 masked %parallel_loop3A_537 : vector<16xi32>, vector<16xi1> -> vector<16xi32>
      %parallel_loop3A_539 = arith.addi %parallel_loop3A_523, %parallel_loop3A_538 : vector<16xi32>
      %parallel_loop3A_540 = arith.constant 1 : i32
      %parallel_loop3A_541 = vector.broadcast %parallel_loop3A_540 : i32 to vector<16xi32>
      %parallel_loop3A_542 = arith.subi %parallel_loop3A_539, %parallel_loop3A_541 : vector<16xi32>
      tpu.vector_store_idx %arg6[%parallel_loop3A_542], %parallel_loop3A_527 masked %parallel_loop3A_534 : memref<8192xi32, #tpu.memory_space<vmem>>[vector<16xi32>], vector<16xi32>, vector<16xi1>
      %parallel_loop3A_543 = tpu.all_reduce %parallel_loop3A_534 {dim = 0 : i64, kind = #tpu.reduction_kind<sum>} : vector<16xi1> -> vector<16xi32>
      %parallel_loop3A_544 = arith.addi %parallel_loop3A_523, %parallel_loop3A_543 : vector<16xi32>
      scf.yield %parallel_loop3A_544 : vector<16xi32>
    } {sc.loop_unroll_factor = 8 : i64, sc.parallel_access}
    %parallel_loop3A_224 = arith.constant 0 : i32
    %parallel_loop3A_225 = arith.constant 264 : i32
    %parallel_loop3A_226 = arith.constant 1 : i32
    scf.for %parallel_loop3A_522 = %parallel_loop3A_224 to %parallel_loop3A_225 step %parallel_loop3A_226  : i32 {
      %parallel_loop3A_523 = arith.constant 16 : i32
      %parallel_loop3A_524 = arith.muli %parallel_loop3A_522, %parallel_loop3A_523 : i32
      %parallel_loop3A_525 = arith.index_cast %parallel_loop3A_524 : i32 to index
      %parallel_loop3A_526 = tpu.vector_load %arg8[%parallel_loop3A_525] {strides = array<i32>} : memref<4224xi32, #tpu.memory_space<vmem>>, vector<16xi32>,
      tpu.vector_store %arg8[%parallel_loop3A_525], %broadcast_in_dim3A_6 {strides = array<i32>} : memref<4224xi32, #tpu.memory_space<vmem>>, vector<16xi32>,
    } {sc.loop_unroll_factor = 8 : i64, sc.parallel_access}
    %add3A_227 = arith.constant 15 : i32
    %add3A_228 = arith.addi %reduce_sum3A_212, %add3A_227 : i32
    %jit3A_229 = arith.constant 16 : i32
    %div3A = arith.divsi %add3A_228, %jit3A_229 : i32
    %sign3A = arith.constant 0 : i32
    %sign3A_230 = arith.cmpi sgt, %add3A_228, %sign3A : i32
    %sign3A_231 = arith.extui %sign3A_230 : i1 to i32
    %sign3A_232 = arith.constant 0 : i32
    %sign3A_233 = arith.cmpi slt, %add3A_228, %sign3A_232 : i32
    %sign3A_234 = arith.extui %sign3A_233 : i1 to i32
    %sign3A_235 = arith.subi %sign3A_231, %sign3A_234 : i32
    %sign3A_236 = arith.constant 0 : i32
    %sign3A_237 = arith.cmpi sgt, %jit3A_229, %sign3A_236 : i32
    %sign3A_238 = arith.extui %sign3A_237 : i1 to i32
    %sign3A_239 = arith.constant 0 : i32
    %sign3A_240 = arith.cmpi slt, %jit3A_229, %sign3A_239 : i32
    %sign3A_241 = arith.extui %sign3A_240 : i1 to i32
    %sign3A_242 = arith.subi %sign3A_238, %sign3A_241 : i32
    %ne3A = arith.cmpi ne, %sign3A_235, %sign3A_242 : i32
    %rem3A = arith.remsi %add3A_228, %jit3A_229 : i32
    %ne3A_243 = arith.constant 0 : i32
    %ne3A_244 = arith.cmpi ne, %rem3A, %ne3A_243 : i32
    %and3A = arith.andi %ne3A, %ne3A_244 : i1
    %sub3A_245 = arith.constant 1 : i32
    %sub3A_246 = arith.subi %div3A, %sub3A_245 : i32
    %select_n3A_247 = arith.select %and3A, %sub3A_246, %div3A : i32
    %add3A_248 = vector.broadcast %reduce_sum3A_212 : i32 to vector<16xi32>
    %add3A_249 = arith.addi %broadcast_in_dim3A_6, %add3A_248 : vector<16xi32>
    %parallel_loop3A_250 = arith.constant 0 : i32
    %parallel_loop3A_251 = arith.constant 1 : i32
    scf.for %parallel_loop3A_522 = %parallel_loop3A_250 to %select_n3A_247 step %parallel_loop3A_251  : i32 {
      %parallel_loop3A_523 = arith.constant 16 : i32
      %parallel_loop3A_524 = arith.muli %parallel_loop3A_522, %parallel_loop3A_523 : i32
      %parallel_loop3A_525 = arith.index_cast %parallel_loop3A_524 : i32 to index
      %parallel_loop3A_526 = tpu.vector_load %arg6[%parallel_loop3A_525] {strides = array<i32>} : memref<8192xi32, #tpu.memory_space<vmem>>, vector<16xi32>,
      %parallel_loop3A_527 = arith.constant 16 : i32
      %parallel_loop3A_528 = arith.muli %parallel_loop3A_522, %parallel_loop3A_527 : i32
      %parallel_loop3A_529 = vector.broadcast %parallel_loop3A_528 : i32 to vector<16xi32>
      %parallel_loop3A_530 = arith.addi %parallel_loop3A_529, %iota3A : vector<16xi32>
      %parallel_loop3A_531 = arith.cmpi slt, %parallel_loop3A_530, %add3A_249 : vector<16xi32>
      %parallel_loop3A_532 = arith.constant 16 : i32
      %parallel_loop3A_533 = vector.broadcast %parallel_loop3A_532 : i32 to vector<16xi32>
      %parallel_loop3A_534 = arith.shrsi %parallel_loop3A_526, %parallel_loop3A_533 : vector<16xi32>
      %parallel_loop3A_535 = arith.constant 255 : i32
      %parallel_loop3A_536 = vector.broadcast %parallel_loop3A_535 : i32 to vector<16xi32>
      %parallel_loop3A_537 = arith.andi %parallel_loop3A_534, %parallel_loop3A_536 : vector<16xi32>
      %parallel_loop3A_538 = arith.addi %mul3A_3, %parallel_loop3A_537 : vector<16xi32>
      tpu.vector_store_idx %arg8[%parallel_loop3A_538], %broadcast_in_dim3A_4 masked %parallel_loop3A_531 {add = true} : memref<4224xi32, #tpu.memory_space<vmem>>[vector<16xi32>], vector<16xi32>, vector<16xi1>
    } {sc.loop_unroll_factor = 4 : i64, sc.parallel_access}
    %parallel_loop3A_252 = arith.constant 0 : i32
    %parallel_loop3A_253 = arith.constant 16 : i32
    %parallel_loop3A_254 = arith.constant 1 : i32
    scf.for %parallel_loop3A_522 = %parallel_loop3A_252 to %parallel_loop3A_253 step %parallel_loop3A_254  : i32 {
      %parallel_loop3A_523 = arith.constant 16 : i32
      %parallel_loop3A_524 = arith.muli %parallel_loop3A_522, %parallel_loop3A_523 : i32
      %parallel_loop3A_525 = arith.constant 0 : i32
      %parallel_loop3A_526 = arith.addi %parallel_loop3A_525, %parallel_loop3A_524 : i32
      %parallel_loop3A_527 = vector.broadcast %parallel_loop3A_526 : i32 to vector<16xi32>
      %parallel_loop3A_528 = arith.addi %parallel_loop3A_527, %iota3A : vector<16xi32>
      %parallel_loop3A_529 = tpu.vector_load_idx %arg8[%parallel_loop3A_528] : memref<4224xi32, #tpu.memory_space<vmem>>[vector<16xi32>], vector<16xi32>,
      %parallel_loop3A_530 = arith.addi %broadcast_in_dim3A_6, %parallel_loop3A_529 : vector<16xi32>
      %parallel_loop3A_531 = arith.constant 16 : i32
      %parallel_loop3A_532 = arith.muli %parallel_loop3A_522, %parallel_loop3A_531 : i32
      %parallel_loop3A_533 = arith.constant 257 : i32
      %parallel_loop3A_534 = arith.addi %parallel_loop3A_533, %parallel_loop3A_532 : i32
      %parallel_loop3A_535 = vector.broadcast %parallel_loop3A_534 : i32 to vector<16xi32>
      %parallel_loop3A_536 = arith.addi %parallel_loop3A_535, %iota3A : vector<16xi32>
      %parallel_loop3A_537 = tpu.vector_load_idx %arg8[%parallel_loop3A_536] : memref<4224xi32, #tpu.memory_space<vmem>>[vector<16xi32>], vector<16xi32>,
      %parallel_loop3A_538 = arith.addi %parallel_loop3A_530, %parallel_loop3A_537 : vector<16xi32>
      %parallel_loop3A_539 = arith.constant 16 : i32
      %parallel_loop3A_540 = arith.muli %parallel_loop3A_522, %parallel_loop3A_539 : i32
      %parallel_loop3A_541 = arith.constant 514 : i32
      %parallel_loop3A_542 = arith.addi %parallel_loop3A_541, %parallel_loop3A_540 : i32
      %parallel_loop3A_543 = vector.broadcast %parallel_loop3A_542 : i32 to vector<16xi32>
      %parallel_loop3A_544 = arith.addi %parallel_loop3A_543, %iota3A : vector<16xi32>
      %parallel_loop3A_545 = tpu.vector_load_idx %arg8[%parallel_loop3A_544] : memref<4224xi32, #tpu.memory_space<vmem>>[vector<16xi32>], vector<16xi32>,
      %parallel_loop3A_546 = arith.addi %parallel_loop3A_538, %parallel_loop3A_545 : vector<16xi32>
      %parallel_loop3A_547 = arith.constant 16 : i32
      %parallel_loop3A_548 = arith.muli %parallel_loop3A_522, %parallel_loop3A_547 : i32
      %parallel_loop3A_549 = arith.constant 771 : i32
      %parallel_loop3A_550 = arith.addi %parallel_loop3A_549, %parallel_loop3A_548 : i32
      %parallel_loop3A_551 = vector.broadcast %parallel_loop3A_550 : i32 to vector<16xi32>
      %parallel_loop3A_552 = arith.addi %parallel_loop3A_551, %iota3A : vector<16xi32>
      %parallel_loop3A_553 = tpu.vector_load_idx %arg8[%parallel_loop3A_552] : memref<4224xi32, #tpu.memory_space<vmem>>[vector<16xi32>], vector<16xi32>,
      %parallel_loop3A_554 = arith.addi %parallel_loop3A_546, %parallel_loop3A_553 : vector<16xi32>
      %parallel_loop3A_555 = arith.constant 16 : i32
      %parallel_loop3A_556 = arith.muli %parallel_loop3A_522, %parallel_loop3A_555 : i32
      %parallel_loop3A_557 = arith.constant 1028 : i32
      %parallel_loop3A_558 = arith.addi %parallel_loop3A_557, %parallel_loop3A_556 : i32
      %parallel_loop3A_559 = vector.broadcast %parallel_loop3A_558 : i32 to vector<16xi32>
      %parallel_loop3A_560 = arith.addi %parallel_loop3A_559, %iota3A : vector<16xi32>
      %parallel_loop3A_561 = tpu.vector_load_idx %arg8[%parallel_loop3A_560] : memref<4224xi32, #tpu.memory_space<vmem>>[vector<16xi32>], vector<16xi32>,
      %parallel_loop3A_562 = arith.addi %parallel_loop3A_554, %parallel_loop3A_561 : vector<16xi32>
      %parallel_loop3A_563 = arith.constant 16 : i32
      %parallel_loop3A_564 = arith.muli %parallel_loop3A_522, %parallel_loop3A_563 : i32
      %parallel_loop3A_565 = arith.constant 1285 : i32
      %parallel_loop3A_566 = arith.addi %parallel_loop3A_565, %parallel_loop3A_564 : i32
      %parallel_loop3A_567 = vector.broadcast %parallel_loop3A_566 : i32 to vector<16xi32>
      %parallel_loop3A_568 = arith.addi %parallel_loop3A_567, %iota3A : vector<16xi32>
      %parallel_loop3A_569 = tpu.vector_load_idx %arg8[%parallel_loop3A_568] : memref<4224xi32, #tpu.memory_space<vmem>>[vector<16xi32>], vector<16xi32>,
      %parallel_loop3A_570 = arith.addi %parallel_loop3A_562, %parallel_loop3A_569 : vector<16xi32>
      %parallel_loop3A_571 = arith.constant 16 : i32
      %parallel_loop3A_572 = arith.muli %parallel_loop3A_522, %parallel_loop3A_571 : i32
      %parallel_loop3A_573 = arith.constant 1542 : i32
      %parallel_loop3A_574 = arith.addi %parallel_loop3A_573, %parallel_loop3A_572 : i32
      %parallel_loop3A_575 = vector.broadcast %parallel_loop3A_574 : i32 to vector<16xi32>
      %parallel_loop3A_576 = arith.addi %parallel_loop3A_575, %iota3A : vector<16xi32>
      %parallel_loop3A_577 = tpu.vector_load_idx %arg8[%parallel_loop3A_576] : memref<4224xi32, #tpu.memory_space<vmem>>[vector<16xi32>], vector<16xi32>,
      %parallel_loop3A_578 = arith.addi %parallel_loop3A_570, %parallel_loop3A_577 : vector<16xi32>
      %parallel_loop3A_579 = arith.constant 16 : i32
      %parallel_loop3A_580 = arith.muli %parallel_loop3A_522, %parallel_loop3A_579 : i32
      %parallel_loop3A_581 = arith.constant 1799 : i32
      %parallel_loop3A_582 = arith.addi %parallel_loop3A_581, %parallel_loop3A_580 : i32
      %parallel_loop3A_583 = vector.broadcast %parallel_loop3A_582 : i32 to vector<16xi32>
      %parallel_loop3A_584 = arith.addi %parallel_loop3A_583, %iota3A : vector<16xi32>
      %parallel_loop3A_585 = tpu.vector_load_idx %arg8[%parallel_loop3A_584] : memref<4224xi32, #tpu.memory_space<vmem>>[vector<16xi32>], vector<16xi32>,
      %parallel_loop3A_586 = arith.addi %parallel_loop3A_578, %parallel_loop3A_585 : vector<16xi32>
      %parallel_loop3A_587 = arith.constant 16 : i32
      %parallel_loop3A_588 = arith.muli %parallel_loop3A_522, %parallel_loop3A_587 : i32
      %parallel_loop3A_589 = arith.constant 2056 : i32
      %parallel_loop3A_590 = arith.addi %parallel_loop3A_589, %parallel_loop3A_588 : i32
      %parallel_loop3A_591 = vector.broadcast %parallel_loop3A_590 : i32 to vector<16xi32>
      %parallel_loop3A_592 = arith.addi %parallel_loop3A_591, %iota3A : vector<16xi32>
      %parallel_loop3A_593 = tpu.vector_load_idx %arg8[%parallel_loop3A_592] : memref<4224xi32, #tpu.memory_space<vmem>>[vector<16xi32>], vector<16xi32>,
      %parallel_loop3A_594 = arith.addi %parallel_loop3A_586, %parallel_loop3A_593 : vector<16xi32>
      %parallel_loop3A_595 = arith.constant 16 : i32
      %parallel_loop3A_596 = arith.muli %parallel_loop3A_522, %parallel_loop3A_595 : i32
      %parallel_loop3A_597 = arith.constant 2313 : i32
      %parallel_loop3A_598 = arith.addi %parallel_loop3A_597, %parallel_loop3A_596 : i32
      %parallel_loop3A_599 = vector.broadcast %parallel_loop3A_598 : i32 to vector<16xi32>
      %parallel_loop3A_600 = arith.addi %parallel_loop3A_599, %iota3A : vector<16xi32>
      %parallel_loop3A_601 = tpu.vector_load_idx %arg8[%parallel_loop3A_600] : memref<4224xi32, #tpu.memory_space<vmem>>[vector<16xi32>], vector<16xi32>,
      %parallel_loop3A_602 = arith.addi %parallel_loop3A_594, %parallel_loop3A_601 : vector<16xi32>
      %parallel_loop3A_603 = arith.constant 16 : i32
      %parallel_loop3A_604 = arith.muli %parallel_loop3A_522, %parallel_loop3A_603 : i32
      %parallel_loop3A_605 = arith.constant 2570 : i32
      %parallel_loop3A_606 = arith.addi %parallel_loop3A_605, %parallel_loop3A_604 : i32
      %parallel_loop3A_607 = vector.broadcast %parallel_loop3A_606 : i32 to vector<16xi32>
      %parallel_loop3A_608 = arith.addi %parallel_loop3A_607, %iota3A : vector<16xi32>
      %parallel_loop3A_609 = tpu.vector_load_idx %arg8[%parallel_loop3A_608] : memref<4224xi32, #tpu.memory_space<vmem>>[vector<16xi32>], vector<16xi32>,
      %parallel_loop3A_610 = arith.addi %parallel_loop3A_602, %parallel_loop3A_609 : vector<16xi32>
      %parallel_loop3A_611 = arith.constant 16 : i32
      %parallel_loop3A_612 = arith.muli %parallel_loop3A_522, %parallel_loop3A_611 : i32
      %parallel_loop3A_613 = arith.constant 2827 : i32
      %parallel_loop3A_614 = arith.addi %parallel_loop3A_613, %parallel_loop3A_612 : i32
      %parallel_loop3A_615 = vector.broadcast %parallel_loop3A_614 : i32 to vector<16xi32>
      %parallel_loop3A_616 = arith.addi %parallel_loop3A_615, %iota3A : vector<16xi32>
      %parallel_loop3A_617 = tpu.vector_load_idx %arg8[%parallel_loop3A_616] : memref<4224xi32, #tpu.memory_space<vmem>>[vector<16xi32>], vector<16xi32>,
      %parallel_loop3A_618 = arith.addi %parallel_loop3A_610, %parallel_loop3A_617 : vector<16xi32>
      %parallel_loop3A_619 = arith.constant 16 : i32
      %parallel_loop3A_620 = arith.muli %parallel_loop3A_522, %parallel_loop3A_619 : i32
      %parallel_loop3A_621 = arith.constant 3084 : i32
      %parallel_loop3A_622 = arith.addi %parallel_loop3A_621, %parallel_loop3A_620 : i32
      %parallel_loop3A_623 = vector.broadcast %parallel_loop3A_622 : i32 to vector<16xi32>
      %parallel_loop3A_624 = arith.addi %parallel_loop3A_623, %iota3A : vector<16xi32>
      %parallel_loop3A_625 = tpu.vector_load_idx %arg8[%parallel_loop3A_624] : memref<4224xi32, #tpu.memory_space<vmem>>[vector<16xi32>], vector<16xi32>,
      %parallel_loop3A_626 = arith.addi %parallel_loop3A_618, %parallel_loop3A_625 : vector<16xi32>
      %parallel_loop3A_627 = arith.constant 16 : i32
      %parallel_loop3A_628 = arith.muli %parallel_loop3A_522, %parallel_loop3A_627 : i32
      %parallel_loop3A_629 = arith.constant 3341 : i32
      %parallel_loop3A_630 = arith.addi %parallel_loop3A_629, %parallel_loop3A_628 : i32
      %parallel_loop3A_631 = vector.broadcast %parallel_loop3A_630 : i32 to vector<16xi32>
      %parallel_loop3A_632 = arith.addi %parallel_loop3A_631, %iota3A : vector<16xi32>
      %parallel_loop3A_633 = tpu.vector_load_idx %arg8[%parallel_loop3A_632] : memref<4224xi32, #tpu.memory_space<vmem>>[vector<16xi32>], vector<16xi32>,
      %parallel_loop3A_634 = arith.addi %parallel_loop3A_626, %parallel_loop3A_633 : vector<16xi32>
      %parallel_loop3A_635 = arith.constant 16 : i32
      %parallel_loop3A_636 = arith.muli %parallel_loop3A_522, %parallel_loop3A_635 : i32
      %parallel_loop3A_637 = arith.constant 3598 : i32
      %parallel_loop3A_638 = arith.addi %parallel_loop3A_637, %parallel_loop3A_636 : i32
      %parallel_loop3A_639 = vector.broadcast %parallel_loop3A_638 : i32 to vector<16xi32>
      %parallel_loop3A_640 = arith.addi %parallel_loop3A_639, %iota3A : vector<16xi32>
      %parallel_loop3A_641 = tpu.vector_load_idx %arg8[%parallel_loop3A_640] : memref<4224xi32, #tpu.memory_space<vmem>>[vector<16xi32>], vector<16xi32>,
      %parallel_loop3A_642 = arith.addi %parallel_loop3A_634, %parallel_loop3A_641 : vector<16xi32>
      %parallel_loop3A_643 = arith.constant 16 : i32
      %parallel_loop3A_644 = arith.muli %parallel_loop3A_522, %parallel_loop3A_643 : i32
      %parallel_loop3A_645 = arith.constant 3855 : i32
      %parallel_loop3A_646 = arith.addi %parallel_loop3A_645, %parallel_loop3A_644 : i32
      %parallel_loop3A_647 = vector.broadcast %parallel_loop3A_646 : i32 to vector<16xi32>
      %parallel_loop3A_648 = arith.addi %parallel_loop3A_647, %iota3A : vector<16xi32>
      %parallel_loop3A_649 = tpu.vector_load_idx %arg8[%parallel_loop3A_648] : memref<4224xi32, #tpu.memory_space<vmem>>[vector<16xi32>], vector<16xi32>,
      %parallel_loop3A_650 = arith.addi %parallel_loop3A_642, %parallel_loop3A_649 : vector<16xi32>
      %parallel_loop3A_651 = arith.constant 16 : i32
      %parallel_loop3A_652 = arith.muli %parallel_loop3A_522, %parallel_loop3A_651 : i32
      %parallel_loop3A_653 = arith.index_cast %parallel_loop3A_652 : i32 to index
      %parallel_loop3A_654 = tpu.vector_load %arg9[%parallel_loop3A_653] {strides = array<i32>} : memref<256xi32, #tpu.memory_space<vmem>>, vector<16xi32>,
      tpu.vector_store %arg9[%parallel_loop3A_653], %parallel_loop3A_650 {strides = array<i32>} : memref<256xi32, #tpu.memory_space<vmem>>, vector<16xi32>,
    } {sc.loop_unroll_factor = 2 : i64, sc.parallel_access}
    %mul3A_255 = arith.constant 16 : i32
    %mul3A_256 = vector.broadcast %mul3A_255 : i32 to vector<16xi32>
    %mul3A_257 = arith.muli %iota3A, %mul3A_256 : vector<16xi32>
    %add3A_258 = arith.constant 0 : i32
    %add3A_259 = vector.broadcast %add3A_258 : i32 to vector<16xi32>
    %add3A_260 = arith.addi %mul3A_257, %add3A_259 : vector<16xi32>
    %gather3A_261 = tpu.vector_load_idx %arg9[%add3A_260] : memref<256xi32, #tpu.memory_space<vmem>>[vector<16xi32>], vector<16xi32>,
    %add3A_262 = arith.addi %broadcast_in_dim3A_6, %gather3A_261 : vector<16xi32>
    %mul3A_263 = arith.constant 16 : i32
    %mul3A_264 = vector.broadcast %mul3A_263 : i32 to vector<16xi32>
    %mul3A_265 = arith.muli %iota3A, %mul3A_264 : vector<16xi32>
    %add3A_266 = arith.constant 1 : i32
    %add3A_267 = vector.broadcast %add3A_266 : i32 to vector<16xi32>
    %add3A_268 = arith.addi %mul3A_265, %add3A_267 : vector<16xi32>
    %gather3A_269 = tpu.vector_load_idx %arg9[%add3A_268] : memref<256xi32, #tpu.memory_space<vmem>>[vector<16xi32>], vector<16xi32>,
    %add3A_270 = arith.addi %add3A_262, %gather3A_269 : vector<16xi32>
    %mul3A_271 = arith.constant 16 : i32
    %mul3A_272 = vector.broadcast %mul3A_271 : i32 to vector<16xi32>
    %mul3A_273 = arith.muli %iota3A, %mul3A_272 : vector<16xi32>
    %add3A_274 = arith.constant 2 : i32
    %add3A_275 = vector.broadcast %add3A_274 : i32 to vector<16xi32>
    %add3A_276 = arith.addi %mul3A_273, %add3A_275 : vector<16xi32>
    %gather3A_277 = tpu.vector_load_idx %arg9[%add3A_276] : memref<256xi32, #tpu.memory_space<vmem>>[vector<16xi32>], vector<16xi32>,
    %add3A_278 = arith.addi %add3A_270, %gather3A_277 : vector<16xi32>
    %mul3A_279 = arith.constant 16 : i32
    %mul3A_280 = vector.broadcast %mul3A_279 : i32 to vector<16xi32>
    %mul3A_281 = arith.muli %iota3A, %mul3A_280 : vector<16xi32>
    %add3A_282 = arith.constant 3 : i32
    %add3A_283 = vector.broadcast %add3A_282 : i32 to vector<16xi32>
    %add3A_284 = arith.addi %mul3A_281, %add3A_283 : vector<16xi32>
    %gather3A_285 = tpu.vector_load_idx %arg9[%add3A_284] : memref<256xi32, #tpu.memory_space<vmem>>[vector<16xi32>], vector<16xi32>,
    %add3A_286 = arith.addi %add3A_278, %gather3A_285 : vector<16xi32>
    %mul3A_287 = arith.constant 16 : i32
    %mul3A_288 = vector.broadcast %mul3A_287 : i32 to vector<16xi32>
    %mul3A_289 = arith.muli %iota3A, %mul3A_288 : vector<16xi32>
    %add3A_290 = arith.constant 4 : i32
    %add3A_291 = vector.broadcast %add3A_290 : i32 to vector<16xi32>
    %add3A_292 = arith.addi %mul3A_289, %add3A_291 : vector<16xi32>
    %gather3A_293 = tpu.vector_load_idx %arg9[%add3A_292] : memref<256xi32, #tpu.memory_space<vmem>>[vector<16xi32>], vector<16xi32>,
    %add3A_294 = arith.addi %add3A_286, %gather3A_293 : vector<16xi32>
    %mul3A_295 = arith.constant 16 : i32
    %mul3A_296 = vector.broadcast %mul3A_295 : i32 to vector<16xi32>
    %mul3A_297 = arith.muli %iota3A, %mul3A_296 : vector<16xi32>
    %add3A_298 = arith.constant 5 : i32
    %add3A_299 = vector.broadcast %add3A_298 : i32 to vector<16xi32>
    %add3A_300 = arith.addi %mul3A_297, %add3A_299 : vector<16xi32>
    %gather3A_301 = tpu.vector_load_idx %arg9[%add3A_300] : memref<256xi32, #tpu.memory_space<vmem>>[vector<16xi32>], vector<16xi32>,
    %add3A_302 = arith.addi %add3A_294, %gather3A_301 : vector<16xi32>
    %mul3A_303 = arith.constant 16 : i32
    %mul3A_304 = vector.broadcast %mul3A_303 : i32 to vector<16xi32>
    %mul3A_305 = arith.muli %iota3A, %mul3A_304 : vector<16xi32>
    %add3A_306 = arith.constant 6 : i32
    %add3A_307 = vector.broadcast %add3A_306 : i32 to vector<16xi32>
    %add3A_308 = arith.addi %mul3A_305, %add3A_307 : vector<16xi32>
    %gather3A_309 = tpu.vector_load_idx %arg9[%add3A_308] : memref<256xi32, #tpu.memory_space<vmem>>[vector<16xi32>], vector<16xi32>,
    %add3A_310 = arith.addi %add3A_302, %gather3A_309 : vector<16xi32>
    %mul3A_311 = arith.constant 16 : i32
    %mul3A_312 = vector.broadcast %mul3A_311 : i32 to vector<16xi32>
    %mul3A_313 = arith.muli %iota3A, %mul3A_312 : vector<16xi32>
    %add3A_314 = arith.constant 7 : i32
    %add3A_315 = vector.broadcast %add3A_314 : i32 to vector<16xi32>
    %add3A_316 = arith.addi %mul3A_313, %add3A_315 : vector<16xi32>
    %gather3A_317 = tpu.vector_load_idx %arg9[%add3A_316] : memref<256xi32, #tpu.memory_space<vmem>>[vector<16xi32>], vector<16xi32>,
    %add3A_318 = arith.addi %add3A_310, %gather3A_317 : vector<16xi32>
    %mul3A_319 = arith.constant 16 : i32
    %mul3A_320 = vector.broadcast %mul3A_319 : i32 to vector<16xi32>
    %mul3A_321 = arith.muli %iota3A, %mul3A_320 : vector<16xi32>
    %add3A_322 = arith.constant 8 : i32
    %add3A_323 = vector.broadcast %add3A_322 : i32 to vector<16xi32>
    %add3A_324 = arith.addi %mul3A_321, %add3A_323 : vector<16xi32>
    %gather3A_325 = tpu.vector_load_idx %arg9[%add3A_324] : memref<256xi32, #tpu.memory_space<vmem>>[vector<16xi32>], vector<16xi32>,
    %add3A_326 = arith.addi %add3A_318, %gather3A_325 : vector<16xi32>
    %mul3A_327 = arith.constant 16 : i32
    %mul3A_328 = vector.broadcast %mul3A_327 : i32 to vector<16xi32>
    %mul3A_329 = arith.muli %iota3A, %mul3A_328 : vector<16xi32>
    %add3A_330 = arith.constant 9 : i32
    %add3A_331 = vector.broadcast %add3A_330 : i32 to vector<16xi32>
    %add3A_332 = arith.addi %mul3A_329, %add3A_331 : vector<16xi32>
    %gather3A_333 = tpu.vector_load_idx %arg9[%add3A_332] : memref<256xi32, #tpu.memory_space<vmem>>[vector<16xi32>], vector<16xi32>,
    %add3A_334 = arith.addi %add3A_326, %gather3A_333 : vector<16xi32>
    %mul3A_335 = arith.constant 16 : i32
    %mul3A_336 = vector.broadcast %mul3A_335 : i32 to vector<16xi32>
    %mul3A_337 = arith.muli %iota3A, %mul3A_336 : vector<16xi32>
    %add3A_338 = arith.constant 10 : i32
    %add3A_339 = vector.broadcast %add3A_338 : i32 to vector<16xi32>
    %add3A_340 = arith.addi %mul3A_337, %add3A_339 : vector<16xi32>
    %gather3A_341 = tpu.vector_load_idx %arg9[%add3A_340] : memref<256xi32, #tpu.memory_space<vmem>>[vector<16xi32>], vector<16xi32>,
    %add3A_342 = arith.addi %add3A_334, %gather3A_341 : vector<16xi32>
    %mul3A_343 = arith.constant 16 : i32
    %mul3A_344 = vector.broadcast %mul3A_343 : i32 to vector<16xi32>
    %mul3A_345 = arith.muli %iota3A, %mul3A_344 : vector<16xi32>
    %add3A_346 = arith.constant 11 : i32
    %add3A_347 = vector.broadcast %add3A_346 : i32 to vector<16xi32>
    %add3A_348 = arith.addi %mul3A_345, %add3A_347 : vector<16xi32>
    %gather3A_349 = tpu.vector_load_idx %arg9[%add3A_348] : memref<256xi32, #tpu.memory_space<vmem>>[vector<16xi32>], vector<16xi32>,
    %add3A_350 = arith.addi %add3A_342, %gather3A_349 : vector<16xi32>
    %mul3A_351 = arith.constant 16 : i32
    %mul3A_352 = vector.broadcast %mul3A_351 : i32 to vector<16xi32>
    %mul3A_353 = arith.muli %iota3A, %mul3A_352 : vector<16xi32>
    %add3A_354 = arith.constant 12 : i32
    %add3A_355 = vector.broadcast %add3A_354 : i32 to vector<16xi32>
    %add3A_356 = arith.addi %mul3A_353, %add3A_355 : vector<16xi32>
    %gather3A_357 = tpu.vector_load_idx %arg9[%add3A_356] : memref<256xi32, #tpu.memory_space<vmem>>[vector<16xi32>], vector<16xi32>,
    %add3A_358 = arith.addi %add3A_350, %gather3A_357 : vector<16xi32>
    %mul3A_359 = arith.constant 16 : i32
    %mul3A_360 = vector.broadcast %mul3A_359 : i32 to vector<16xi32>
    %mul3A_361 = arith.muli %iota3A, %mul3A_360 : vector<16xi32>
    %add3A_362 = arith.constant 13 : i32
    %add3A_363 = vector.broadcast %add3A_362 : i32 to vector<16xi32>
    %add3A_364 = arith.addi %mul3A_361, %add3A_363 : vector<16xi32>
    %gather3A_365 = tpu.vector_load_idx %arg9[%add3A_364] : memref<256xi32, #tpu.memory_space<vmem>>[vector<16xi32>], vector<16xi32>,
    %add3A_366 = arith.addi %add3A_358, %gather3A_365 : vector<16xi32>
    %mul3A_367 = arith.constant 16 : i32
    %mul3A_368 = vector.broadcast %mul3A_367 : i32 to vector<16xi32>
    %mul3A_369 = arith.muli %iota3A, %mul3A_368 : vector<16xi32>
    %add3A_370 = arith.constant 14 : i32
    %add3A_371 = vector.broadcast %add3A_370 : i32 to vector<16xi32>
    %add3A_372 = arith.addi %mul3A_369, %add3A_371 : vector<16xi32>
    %gather3A_373 = tpu.vector_load_idx %arg9[%add3A_372] : memref<256xi32, #tpu.memory_space<vmem>>[vector<16xi32>], vector<16xi32>,
    %add3A_374 = arith.addi %add3A_366, %gather3A_373 : vector<16xi32>
    %mul3A_375 = arith.constant 16 : i32
    %mul3A_376 = vector.broadcast %mul3A_375 : i32 to vector<16xi32>
    %mul3A_377 = arith.muli %iota3A, %mul3A_376 : vector<16xi32>
    %add3A_378 = arith.constant 15 : i32
    %add3A_379 = vector.broadcast %add3A_378 : i32 to vector<16xi32>
    %add3A_380 = arith.addi %mul3A_377, %add3A_379 : vector<16xi32>
    %gather3A_381 = tpu.vector_load_idx %arg9[%add3A_380] : memref<256xi32, #tpu.memory_space<vmem>>[vector<16xi32>], vector<16xi32>,
    %add3A_382 = arith.addi %add3A_374, %gather3A_381 : vector<16xi32>
    %rev3A_383 = arith.constant 15 : i32
    %rev3A_384 = vector.broadcast %rev3A_383 : i32 to vector<16xi32>
    %rev3A_385 = tpu.iota {dimensions = array<i32: 0>} : vector<16xi32>
    %rev3A_386 = arith.subi %rev3A_384, %rev3A_385 : vector<16xi32>
    %rev3A_387 = tpu.dynamic_gather %add3A_382[%rev3A_386] in [0] : vector<16xi32>, vector<16xi32> -> vector<16xi32>
    %broadcast_in_dim3A_388 = arith.constant true
    %broadcast_in_dim3A_389 = vector.broadcast %broadcast_in_dim3A_388 : i1 to vector<16xi1>
    %masked_cumsum3A_390 = tpu.scan <sum>, %rev3A_387 masked %broadcast_in_dim3A_389 : vector<16xi32>, vector<16xi1> -> vector<16xi32>
    %rev3A_391 = arith.constant 15 : i32
    %rev3A_392 = vector.broadcast %rev3A_391 : i32 to vector<16xi32>
    %rev3A_393 = tpu.iota {dimensions = array<i32: 0>} : vector<16xi32>
    %rev3A_394 = arith.subi %rev3A_392, %rev3A_393 : vector<16xi32>
    %rev3A_395 = tpu.dynamic_gather %masked_cumsum3A_390[%rev3A_394] in [0] : vector<16xi32>, vector<16xi32> -> vector<16xi32>
    %ge3A_396 = vector.broadcast %sub3A_217 : i32 to vector<16xi32>
    %ge3A_397 = arith.cmpi sge, %rev3A_395, %ge3A_396 : vector<16xi32>
    %convert_element_type3A_398 = arith.extui %ge3A_397 : vector<16xi1> to vector<16xi32>
    %reduce_sum3A_399 = arith.constant true
    %reduce_sum3A_400 = vector.broadcast %reduce_sum3A_399 : i1 to vector<16xi1>
    %reduce_sum3A_401 = tpu.scan <sum>, %convert_element_type3A_398 masked %reduce_sum3A_400 : vector<16xi32>, vector<16xi1> -> vector<16xi32>
    %reduce_sum3A_402 = vector.extract %reduce_sum3A_401[15] : i32 from vector<16xi32>
    %sub3A_403 = arith.constant 1 : i32
    %sub3A_404 = arith.subi %reduce_sum3A_402, %sub3A_403 : i32
    %eq3A_405 = vector.broadcast %sub3A_404 : i32 to vector<16xi32>
    %eq3A_406 = arith.cmpi eq, %iota3A, %eq3A_405 : vector<16xi32>
    %sub3A_407 = arith.subi %rev3A_395, %add3A_382 : vector<16xi32>
    %jit3A_408 = arith.constant 0 : i32
    %broadcast_in_dim3A_409 = vector.broadcast %jit3A_408 : i32 to vector<16xi32>
    %select_n3A_410 = arith.select %eq3A_406, %sub3A_407, %broadcast_in_dim3A_409 : vector<16xi1>, vector<16xi32>
    %reduce_sum3A_411 = arith.constant true
    %reduce_sum3A_412 = vector.broadcast %reduce_sum3A_411 : i1 to vector<16xi1>
    %reduce_sum3A_413 = tpu.scan <sum>, %select_n3A_410 masked %reduce_sum3A_412 : vector<16xi32>, vector<16xi1> -> vector<16xi32>
    %reduce_sum3A_414 = vector.extract %reduce_sum3A_413[15] : i32 from vector<16xi32>
    %mul3A_415 = arith.constant 16 : i32
    %mul3A_416 = arith.muli %sub3A_404, %mul3A_415 : i32
    %get3A_417 = arith.index_cast %mul3A_416 : i32 to index
    %get3A_418 = tpu.vector_load %arg9[%get3A_417] {strides = array<i32>} : memref<256xi32, #tpu.memory_space<vmem>>, vector<16xi32>,
    %rev3A_419 = arith.constant 15 : i32
    %rev3A_420 = vector.broadcast %rev3A_419 : i32 to vector<16xi32>
    %rev3A_421 = tpu.iota {dimensions = array<i32: 0>} : vector<16xi32>
    %rev3A_422 = arith.subi %rev3A_420, %rev3A_421 : vector<16xi32>
    %rev3A_423 = tpu.dynamic_gather %get3A_418[%rev3A_422] in [0] : vector<16xi32>, vector<16xi32> -> vector<16xi32>
    %broadcast_in_dim3A_424 = arith.constant true
    %broadcast_in_dim3A_425 = vector.broadcast %broadcast_in_dim3A_424 : i1 to vector<16xi1>
    %masked_cumsum3A_426 = tpu.scan <sum>, %rev3A_423 masked %broadcast_in_dim3A_425 : vector<16xi32>, vector<16xi1> -> vector<16xi32>
    %rev3A_427 = arith.constant 15 : i32
    %rev3A_428 = vector.broadcast %rev3A_427 : i32 to vector<16xi32>
    %rev3A_429 = tpu.iota {dimensions = array<i32: 0>} : vector<16xi32>
    %rev3A_430 = arith.subi %rev3A_428, %rev3A_429 : vector<16xi32>
    %rev3A_431 = tpu.dynamic_gather %masked_cumsum3A_426[%rev3A_430] in [0] : vector<16xi32>, vector<16xi32> -> vector<16xi32>
    %add3A_432 = vector.broadcast %reduce_sum3A_414 : i32 to vector<16xi32>
    %add3A_433 = arith.addi %rev3A_431, %add3A_432 : vector<16xi32>
    %ge3A_434 = vector.broadcast %sub3A_217 : i32 to vector<16xi32>
    %ge3A_435 = arith.cmpi sge, %add3A_433, %ge3A_434 : vector<16xi32>
    %convert_element_type3A_436 = arith.extui %ge3A_435 : vector<16xi1> to vector<16xi32>
    %reduce_sum3A_437 = arith.constant true
    %reduce_sum3A_438 = vector.broadcast %reduce_sum3A_437 : i1 to vector<16xi1>
    %reduce_sum3A_439 = tpu.scan <sum>, %convert_element_type3A_436 masked %reduce_sum3A_438 : vector<16xi32>, vector<16xi1> -> vector<16xi32>
    %reduce_sum3A_440 = vector.extract %reduce_sum3A_439[15] : i32 from vector<16xi32>
    %sub3A_441 = arith.constant 1 : i32
    %sub3A_442 = arith.subi %reduce_sum3A_440, %sub3A_441 : i32
    %eq3A_443 = vector.broadcast %sub3A_442 : i32 to vector<16xi32>
    %eq3A_444 = arith.cmpi eq, %iota3A, %eq3A_443 : vector<16xi32>
    %sub3A_445 = arith.subi %add3A_433, %get3A_418 : vector<16xi32>
    %jit3A_446 = arith.constant 0 : i32
    %broadcast_in_dim3A_447 = vector.broadcast %jit3A_446 : i32 to vector<16xi32>
    %select_n3A_448 = arith.select %eq3A_444, %sub3A_445, %broadcast_in_dim3A_447 : vector<16xi1>, vector<16xi32>
    %reduce_sum3A_449 = arith.constant true
    %reduce_sum3A_450 = vector.broadcast %reduce_sum3A_449 : i1 to vector<16xi1>
    %reduce_sum3A_451 = tpu.scan <sum>, %select_n3A_448 masked %reduce_sum3A_450 : vector<16xi32>, vector<16xi1> -> vector<16xi32>
    %reduce_sum3A_452 = vector.extract %reduce_sum3A_451[15] : i32 from vector<16xi32>
    %eq3A_453 = vector.broadcast %sub3A_442 : i32 to vector<16xi32>
    %eq3A_454 = arith.cmpi eq, %iota3A, %eq3A_453 : vector<16xi32>
    %jit3A_455 = arith.constant 0 : i32
    %broadcast_in_dim3A_456 = vector.broadcast %jit3A_455 : i32 to vector<16xi32>
    %select_n3A_457 = arith.select %eq3A_454, %get3A_418, %broadcast_in_dim3A_456 : vector<16xi1>, vector<16xi32>
    %reduce_sum3A_458 = arith.constant true
    %reduce_sum3A_459 = vector.broadcast %reduce_sum3A_458 : i1 to vector<16xi1>
    %reduce_sum3A_460 = tpu.scan <sum>, %select_n3A_457 masked %reduce_sum3A_459 : vector<16xi32>, vector<16xi1> -> vector<16xi32>
    %reduce_sum3A_461 = vector.extract %reduce_sum3A_460[15] : i32 from vector<16xi32>
    %mul3A_462 = arith.constant 16 : i32
    %mul3A_463 = arith.muli %sub3A_404, %mul3A_462 : i32
    %add3A_464 = arith.addi %mul3A_463, %sub3A_442 : i32
    %sub3A_465 = arith.subi %sub3A_217, %reduce_sum3A_452 : i32
    %add3A_466 = vector.broadcast %add3A_464 : i32 to vector<16xi32>
    %add3A_467 = arith.addi %broadcast_in_dim3A_6, %add3A_466 : vector<16xi32>
    %parallel_loop3A_468 = arith.constant 0 : i32
    %parallel_loop3A_469 = arith.constant 1 : i32
    %parallel_loop3A_470 = scf.for %parallel_loop3A_522 = %parallel_loop3A_468 to %select_n3A_247 step %parallel_loop3A_469 iter_args(%parallel_loop3A_523 = %broadcast_in_dim3A_6) -> (vector<16xi32>)  : i32 {
      %parallel_loop3A_524 = arith.constant 16 : i32
      %parallel_loop3A_525 = arith.muli %parallel_loop3A_522, %parallel_loop3A_524 : i32
      %parallel_loop3A_526 = arith.index_cast %parallel_loop3A_525 : i32 to index
      %parallel_loop3A_527 = tpu.vector_load %arg6[%parallel_loop3A_526] {strides = array<i32>} : memref<8192xi32, #tpu.memory_space<vmem>>, vector<16xi32>,
      %parallel_loop3A_528 = arith.constant 16 : i32
      %parallel_loop3A_529 = arith.muli %parallel_loop3A_522, %parallel_loop3A_528 : i32
      %parallel_loop3A_530 = vector.broadcast %parallel_loop3A_529 : i32 to vector<16xi32>
      %parallel_loop3A_531 = arith.addi %parallel_loop3A_530, %iota3A : vector<16xi32>
      %parallel_loop3A_532 = arith.cmpi slt, %parallel_loop3A_531, %add3A_249 : vector<16xi32>
      %parallel_loop3A_533 = arith.constant 16 : i32
      %parallel_loop3A_534 = vector.broadcast %parallel_loop3A_533 : i32 to vector<16xi32>
      %parallel_loop3A_535 = arith.shrsi %parallel_loop3A_527, %parallel_loop3A_534 : vector<16xi32>
      %parallel_loop3A_536 = arith.constant 255 : i32
      %parallel_loop3A_537 = vector.broadcast %parallel_loop3A_536 : i32 to vector<16xi32>
      %parallel_loop3A_538 = arith.andi %parallel_loop3A_535, %parallel_loop3A_537 : vector<16xi32>
      %parallel_loop3A_539 = arith.cmpi eq, %parallel_loop3A_538, %add3A_467 : vector<16xi32>
      %parallel_loop3A_540 = arith.andi %parallel_loop3A_539, %parallel_loop3A_532 : vector<16xi1>
      %parallel_loop3A_541 = arith.extui %parallel_loop3A_540 : vector<16xi1> to vector<16xi32>
      %parallel_loop3A_542 = arith.constant true
      %parallel_loop3A_543 = vector.broadcast %parallel_loop3A_542 : i1 to vector<16xi1>
      %parallel_loop3A_544 = tpu.scan <sum>, %parallel_loop3A_541 masked %parallel_loop3A_543 : vector<16xi32>, vector<16xi1> -> vector<16xi32>
      %parallel_loop3A_545 = arith.addi %parallel_loop3A_523, %parallel_loop3A_544 : vector<16xi32>
      %parallel_loop3A_546 = arith.constant 1 : i32
      %parallel_loop3A_547 = vector.broadcast %parallel_loop3A_546 : i32 to vector<16xi32>
      %parallel_loop3A_548 = arith.subi %parallel_loop3A_545, %parallel_loop3A_547 : vector<16xi32>
      tpu.vector_store_idx %arg7[%parallel_loop3A_548], %parallel_loop3A_527 masked %parallel_loop3A_540 : memref<8192xi32, #tpu.memory_space<vmem>>[vector<16xi32>], vector<16xi32>, vector<16xi1>
      %parallel_loop3A_549 = tpu.all_reduce %parallel_loop3A_540 {dim = 0 : i64, kind = #tpu.reduction_kind<sum>} : vector<16xi1> -> vector<16xi32>
      %parallel_loop3A_550 = arith.addi %parallel_loop3A_523, %parallel_loop3A_549 : vector<16xi32>
      scf.yield %parallel_loop3A_550 : vector<16xi32>
    } {sc.loop_unroll_factor = 4 : i64, sc.parallel_access}
    %add3A_471 = arith.constant 15 : i32
    %add3A_472 = arith.addi %reduce_sum3A_461, %add3A_471 : i32
    %jit3A_473 = arith.constant 16 : i32
    %div3A_474 = arith.divsi %add3A_472, %jit3A_473 : i32
    %sign3A_475 = arith.constant 0 : i32
    %sign3A_476 = arith.cmpi sgt, %add3A_472, %sign3A_475 : i32
    %sign3A_477 = arith.extui %sign3A_476 : i1 to i32
    %sign3A_478 = arith.constant 0 : i32
    %sign3A_479 = arith.cmpi slt, %add3A_472, %sign3A_478 : i32
    %sign3A_480 = arith.extui %sign3A_479 : i1 to i32
    %sign3A_481 = arith.subi %sign3A_477, %sign3A_480 : i32
    %sign3A_482 = arith.constant 0 : i32
    %sign3A_483 = arith.cmpi sgt, %jit3A_473, %sign3A_482 : i32
    %sign3A_484 = arith.extui %sign3A_483 : i1 to i32
    %sign3A_485 = arith.constant 0 : i32
    %sign3A_486 = arith.cmpi slt, %jit3A_473, %sign3A_485 : i32
    %sign3A_487 = arith.extui %sign3A_486 : i1 to i32
    %sign3A_488 = arith.subi %sign3A_484, %sign3A_487 : i32
    %ne3A_489 = arith.cmpi ne, %sign3A_481, %sign3A_488 : i32
    %rem3A_490 = arith.remsi %add3A_472, %jit3A_473 : i32
    %ne3A_491 = arith.constant 0 : i32
    %ne3A_492 = arith.cmpi ne, %rem3A_490, %ne3A_491 : i32
    %and3A_493 = arith.andi %ne3A_489, %ne3A_492 : i1
    %sub3A_494 = arith.constant 1 : i32
    %sub3A_495 = arith.subi %div3A_474, %sub3A_494 : i32
    %select_n3A_496 = arith.select %and3A_493, %sub3A_495, %div3A_474 : i32
    %add3A_497 = vector.broadcast %sub3A_465 : i32 to vector<16xi32>
    %add3A_498 = arith.addi %broadcast_in_dim3A_6, %add3A_497 : vector<16xi32>
    %add3A_499 = vector.broadcast %reduce_sum3A_461 : i32 to vector<16xi32>
    %add3A_500 = arith.addi %broadcast_in_dim3A_6, %add3A_499 : vector<16xi32>
    %sub3A_501 = arith.constant 128 : i32
    %sub3A_502 = arith.subi %add3A_215, %sub3A_501 : i32
    %shift_left3A = arith.constant 24 : i32
    %shift_left3A_503 = arith.shli %sub3A_502, %shift_left3A : i32
    %shift_left3A_504 = arith.constant 16 : i32
    %shift_left3A_505 = arith.shli %add3A_464, %shift_left3A_504 : i32
    %or3A = arith.ori %shift_left3A_503, %shift_left3A_505 : i32
    %add3A_506 = vector.broadcast %or3A : i32 to vector<16xi32>
    %add3A_507 = arith.addi %broadcast_in_dim3A_6, %add3A_506 : vector<16xi32>
    %scan3A = arith.constant 0 : i32
    %scan3A_508 = arith.constant 16 : i32
    %scan3A_509 = arith.addi %scan3A, %scan3A_508 : i32
    %scan3A_510 = arith.constant 1 : i32
    %scan3A_511 = scf.for %scan3A_522 = %scan3A to %scan3A_509 step %scan3A_510 iter_args(%scan3A_523 = %add3A_507) -> (vector<16xi32>)  : i32 {
      %sub3A_524 = arith.constant 15 : i32
      %sub3A_525 = arith.subi %sub3A_524, %scan3A_522 : i32
      %shift_left3A_526 = arith.constant 1 : i32
      %shift_left3A_527 = arith.shli %shift_left3A_526, %sub3A_525 : i32
      %or3A_528 = vector.broadcast %shift_left3A_527 : i32 to vector<16xi32>
      %or3A_529 = arith.ori %scan3A_523, %or3A_528 : vector<16xi32>
      %parallel_loop3A_530 = arith.constant 0 : i32
      %parallel_loop3A_531 = arith.constant 1 : i32
      %parallel_loop3A_532 = scf.for %parallel_loop3A_535 = %parallel_loop3A_530 to %select_n3A_496 step %parallel_loop3A_531 iter_args(%parallel_loop3A_536 = %broadcast_in_dim3A_6) -> (vector<16xi32>)  : i32 {
        %parallel_loop3A_537 = arith.constant 16 : i32
        %parallel_loop3A_538 = arith.muli %parallel_loop3A_535, %parallel_loop3A_537 : i32
        %parallel_loop3A_539 = arith.index_cast %parallel_loop3A_538 : i32 to index
        %parallel_loop3A_540 = tpu.vector_load %arg7[%parallel_loop3A_539] {strides = array<i32>} : memref<8192xi32, #tpu.memory_space<vmem>>, vector<16xi32>,
        %parallel_loop3A_541 = arith.cmpi sge, %parallel_loop3A_540, %or3A_529 : vector<16xi32>
        %parallel_loop3A_542 = arith.constant 16 : i32
        %parallel_loop3A_543 = arith.muli %parallel_loop3A_535, %parallel_loop3A_542 : i32
        %parallel_loop3A_544 = vector.broadcast %parallel_loop3A_543 : i32 to vector<16xi32>
        %parallel_loop3A_545 = arith.addi %parallel_loop3A_544, %iota3A : vector<16xi32>
        %parallel_loop3A_546 = arith.cmpi slt, %parallel_loop3A_545, %add3A_500 : vector<16xi32>
        %parallel_loop3A_547 = arith.andi %parallel_loop3A_541, %parallel_loop3A_546 : vector<16xi1>
        %parallel_loop3A_548 = tpu.all_reduce %parallel_loop3A_547 {dim = 0 : i64, kind = #tpu.reduction_kind<sum>} : vector<16xi1> -> vector<16xi32>
        %parallel_loop3A_549 = arith.addi %parallel_loop3A_536, %parallel_loop3A_548 : vector<16xi32>
        scf.yield %parallel_loop3A_549 : vector<16xi32>
      } {sc.loop_unroll_factor = 1 : i64, sc.parallel_access}
      %ge3A_533 = arith.cmpi sge, %parallel_loop3A_532, %add3A_498 : vector<16xi32>
      %select_n3A_534 = arith.select %ge3A_533, %or3A_529, %scan3A_523 : vector<16xi1>, vector<16xi32>
      scf.yield %select_n3A_534 : vector<16xi32>
    }
    %scan3A_512 = arith.constant 16 : i32
    %ge3A_513 = arith.constant 0 : i32
    %ge3A_514 = vector.broadcast %ge3A_513 : i32 to vector<16xi32>
    %ge3A_515 = arith.cmpi sge, %scan3A_511, %ge3A_514 : vector<16xi32>
    %xor3A = arith.constant 2147483647 : i32
    %xor3A_516 = vector.broadcast %xor3A : i32 to vector<16xi32>
    %xor3A_517 = arith.xori %scan3A_511, %xor3A_516 : vector<16xi32>
    %select_n3A_518 = arith.select %ge3A_515, %scan3A_511, %xor3A_517 : vector<16xi1>, vector<16xi32>
    %bitcast_convert_type3A = tpu.bitcast %select_n3A_518 : vector<16xi32> -> vector<16xf32>
    %parallel_loop3A_519 = arith.constant 0 : i32
    %parallel_loop3A_520 = arith.constant 512 : i32
    %parallel_loop3A_521 = arith.constant 1 : i32
    scf.for %parallel_loop3A_522 = %parallel_loop3A_519 to %parallel_loop3A_520 step %parallel_loop3A_521  : i32 {
      %parallel_loop3A_523 = arith.constant 16 : i32
      %parallel_loop3A_524 = arith.muli %parallel_loop3A_522, %parallel_loop3A_523 : i32
      %parallel_loop3A_525 = arith.index_cast %parallel_loop3A_524 : i32 to index
      %parallel_loop3A_526 = tpu.vector_load %arg4[%parallel_loop3A_525] {strides = array<i32>} : memref<8192xf32, #tpu.memory_space<vmem>>, vector<16xf32>,
      %parallel_loop3A_527 = arith.cmpf oge, %parallel_loop3A_526, %bitcast_convert_type3A : vector<16xf32>
      %parallel_loop3A_528 = arith.constant 0.000000e+00 : f32
      %parallel_loop3A_529 = vector.broadcast %parallel_loop3A_528 : f32 to vector<16xf32>
      %parallel_loop3A_530 = arith.select %parallel_loop3A_527, %parallel_loop3A_526, %parallel_loop3A_529 : vector<16xi1>, vector<16xf32>
      %parallel_loop3A_531 = arith.constant 16 : i32
      %parallel_loop3A_532 = arith.muli %parallel_loop3A_522, %parallel_loop3A_531 : i32
      %parallel_loop3A_533 = arith.index_cast %parallel_loop3A_532 : i32 to index
      %parallel_loop3A_534 = tpu.vector_load %arg4[%parallel_loop3A_533] {strides = array<i32>} : memref<8192xf32, #tpu.memory_space<vmem>>, vector<16xf32>,
      tpu.vector_store %arg4[%parallel_loop3A_533], %parallel_loop3A_530 {strides = array<i32>} : memref<8192xf32, #tpu.memory_space<vmem>>, vector<16xf32>,
    } {sc.loop_unroll_factor = 8 : i64, sc.parallel_access}
    "tpu.region"() ({
      %run_scoped3A = tpu.sem_alloc : memref<!tpu.dma_semaphore, #tpu.memory_space<semaphore_mem>>
      %dma_start3A = arith.constant 0 : i32
      %dma_start3A_522 = tpu.memref_slice %arg3[%add3A, %dma_start3A] : memref<32x8192xf32, #tpu.memory_space<hbm>> -> memref<1x8192xf32, #tpu.memory_space<hbm>>
      %dma_start3A_523 = tpu.memref_squeeze %dma_start3A_522 : memref<1x8192xf32, #tpu.memory_space<hbm>> -> memref<8192xf32, #tpu.memory_space<hbm>>
      %dma_start3A_524 = arith.constant 0 : i32
      %dma_start3A_525 = tpu.memref_slice %arg3[%add3A, %dma_start3A_524] : memref<32x8192xf32, #tpu.memory_space<hbm>> -> memref<1x8192xf32, #tpu.memory_space<hbm>>
      %dma_start3A_526 = tpu.memref_squeeze %dma_start3A_525 : memref<1x8192xf32, #tpu.memory_space<hbm>> -> memref<8192xf32, #tpu.memory_space<hbm>>
      tpu.enqueue_dma source(%arg4 : memref<8192xf32, #tpu.memory_space<vmem>>) target(%dma_start3A_526 : memref<8192xf32, #tpu.memory_space<hbm>>) target_semaphore(%run_scoped3A : memref<!tpu.dma_semaphore, #tpu.memory_space<semaphore_mem>>)
      %dma_wait3A = arith.constant 0 : i32
      %dma_wait3A_527 = tpu.memref_slice %arg3[%add3A, %dma_wait3A] : memref<32x8192xf32, #tpu.memory_space<hbm>> -> memref<1x8192xf32, #tpu.memory_space<hbm>>
      %dma_wait3A_528 = tpu.memref_squeeze %dma_wait3A_527 : memref<1x8192xf32, #tpu.memory_space<hbm>> -> memref<8192xf32, #tpu.memory_space<hbm>>
      %dma_wait3A_529 = arith.constant 0 : i32
      %dma_wait3A_530 = tpu.memref_slice %arg3[%add3A, %dma_wait3A_529] : memref<32x8192xf32, #tpu.memory_space<hbm>> -> memref<1x8192xf32, #tpu.memory_space<hbm>>
      %dma_wait3A_531 = tpu.memref_squeeze %dma_wait3A_530 : memref<1x8192xf32, #tpu.memory_space<hbm>> -> memref<8192xf32, #tpu.memory_space<hbm>>
      tpu.wait_dma2 semaphore(%run_scoped3A : memref<!tpu.dma_semaphore, #tpu.memory_space<semaphore_mem>>) src(%arg4 : memref<8192xf32, #tpu.memory_space<vmem>>) dst(%dma_wait3A_531 : memref<8192xf32, #tpu.memory_space<hbm>>)
      tpu.yield
    }) : () -> ()
    return
  }
}

module attributes {stable_mosaic.version = 14 : i64} {
  func.func @_tc_body(%arg0: i32, %arg1: memref<32x8192xf32, #tpu.memory_space<vmem>>, %arg2: memref<32x8192xf32, #tpu.memory_space<vmem>>) attributes {dimension_semantics = [#tpu.dimension_semantics<arbitrary>], iteration_bounds = array<i64: 1>, scalar_prefetch = 0 : i64, scratch_operands = 0 : i64, tpu.core_type = #tpu.core_type<tc>, window_params = [{transform_indices = @transform_0, window_bounds = array<i64: 32, 8192>}, {pipeline_mode = #tpu.pipeline_mode<synchronous>, transform_indices = @transform_1, window_bounds = array<i64: 32, 8192>}]} {
    %get3A = arith.constant 0 : index
    %get3A_0 = arith.constant 0 : index
    %get3A_1 = vector.load %arg1[%get3A, %get3A_0] : memref<32x8192xf32, #tpu.memory_space<vmem>>, vector<32x8192xf32>
    %bitcast_convert_type3A = tpu.bitcast %get3A_1 : vector<32x8192xf32> -> vector<32x8192xi32>
    %shift_right_logical3A = arith.constant 31 : i32
    %shift_right_logical3A_2 = vector.broadcast %shift_right_logical3A : i32 to vector<32x8192xi32>
    %shift_right_logical3A_3 = arith.shrui %bitcast_convert_type3A, %shift_right_logical3A_2 : vector<32x8192xi32>
    %eq3A = arith.constant 1 : i32
    %eq3A_4 = vector.broadcast %eq3A : i32 to vector<32x8192xi32>
    %eq3A_5 = arith.cmpi eq, %shift_right_logical3A_3, %eq3A_4 : vector<32x8192xi32>
    %not3A = arith.constant dense<-1> : vector<32x8192xi32>
    %not3A_6 = arith.xori %bitcast_convert_type3A, %not3A : vector<32x8192xi32>
    %or3A = arith.constant -2147483648 : i32
    %or3A_7 = vector.broadcast %or3A : i32 to vector<32x8192xi32>
    %or3A_8 = arith.ori %bitcast_convert_type3A, %or3A_7 : vector<32x8192xi32>
    %select_n3A = arith.select %eq3A_5, %not3A_6, %or3A_8 : vector<32x8192xi1>, vector<32x8192xi32>
    %broadcast_in_dim3A = arith.constant 0 : i32
    %broadcast_in_dim3A_9 = vector.broadcast %broadcast_in_dim3A : i32 to vector<32x1xi32>
    %scan3A = arith.constant 0 : i32
    %scan3A_10 = arith.constant 32 : i32
    %scan3A_11 = arith.addi %scan3A, %scan3A_10 : i32
    %scan3A_12 = arith.constant 1 : i32
    %scan3A_13 = scf.for %scan3A_33 = %scan3A to %scan3A_11 step %scan3A_12 iter_args(%scan3A_34 = %broadcast_in_dim3A_9) -> (vector<32x1xi32>)  : i32 {
      %sub3A = arith.constant 31 : i32
      %sub3A_35 = arith.subi %sub3A, %scan3A_33 : i32
      %shift_left3A = arith.constant 1 : i32
      %shift_left3A_36 = arith.shli %shift_left3A, %sub3A_35 : i32
      %or3A_37 = vector.broadcast %shift_left3A_36 : i32 to vector<32x1xi32>
      %or3A_38 = arith.ori %scan3A_34, %or3A_37 : vector<32x1xi32>
      %ge3A_39 = vector.broadcast %or3A_38 : vector<32x1xi32> to vector<32x8192xi32>
      %ge3A_40 = arith.cmpi uge, %select_n3A, %ge3A_39 : vector<32x8192xi32>
      %convert_element_type3A = arith.extui %ge3A_40 : vector<32x8192xi1> to vector<32x8192xi32>
      %reduce_sum3A = arith.constant dense<0> : vector<32xi32>
      %reduce_sum3A_41 = vector.multi_reduction <add>, %convert_element_type3A, %reduce_sum3A [1] : vector<32x8192xi32> to vector<32xi32>
      %broadcast_in_dim3A_42 = vector.shape_cast %reduce_sum3A_41 : vector<32xi32> to vector<32x1xi32>
      %ge3A_43 = arith.constant 256 : i32
      %ge3A_44 = vector.broadcast %ge3A_43 : i32 to vector<32x1xi32>
      %ge3A_45 = arith.cmpi sge, %broadcast_in_dim3A_42, %ge3A_44 : vector<32x1xi32>
      %select_n3A_46 = arith.select %ge3A_45, %or3A_38, %scan3A_34 : vector<32x1xi1>, vector<32x1xi32>
      scf.yield %select_n3A_46 : vector<32x1xi32>
    }
    %scan3A_14 = arith.constant 32 : i32
    %shift_right_logical3A_15 = arith.constant 31 : i32
    %shift_right_logical3A_16 = vector.broadcast %shift_right_logical3A_15 : i32 to vector<32x1xi32>
    %shift_right_logical3A_17 = arith.shrui %scan3A_13, %shift_right_logical3A_16 : vector<32x1xi32>
    %eq3A_18 = arith.constant 1 : i32
    %eq3A_19 = vector.broadcast %eq3A_18 : i32 to vector<32x1xi32>
    %eq3A_20 = arith.cmpi eq, %shift_right_logical3A_17, %eq3A_19 : vector<32x1xi32>
    %xor3A = arith.constant -2147483648 : i32
    %xor3A_21 = vector.broadcast %xor3A : i32 to vector<32x1xi32>
    %xor3A_22 = arith.xori %scan3A_13, %xor3A_21 : vector<32x1xi32>
    %not3A_23 = arith.constant dense<-1> : vector<32x1xi32>
    %not3A_24 = arith.xori %scan3A_13, %not3A_23 : vector<32x1xi32>
    %select_n3A_25 = arith.select %eq3A_20, %xor3A_22, %not3A_24 : vector<32x1xi1>, vector<32x1xi32>
    %bitcast_convert_type3A_26 = tpu.bitcast %select_n3A_25 : vector<32x1xi32> -> vector<32x1xf32>
    %ge3A = vector.broadcast %bitcast_convert_type3A_26 : vector<32x1xf32> to vector<32x8192xf32>
    %ge3A_27 = arith.cmpf oge, %get3A_1, %ge3A : vector<32x8192xf32>
    %broadcast_in_dim3A_28 = arith.constant 0.000000e+00 : f32
    %broadcast_in_dim3A_29 = vector.broadcast %broadcast_in_dim3A_28 : f32 to vector<32x8192xf32>
    %select_n3A_30 = arith.select %ge3A_27, %get3A_1, %broadcast_in_dim3A_29 : vector<32x8192xi1>, vector<32x8192xf32>
    %swap3A = arith.constant 0 : index
    %swap3A_31 = arith.constant 0 : index
    %swap3A_32 = vector.load %arg2[%swap3A, %swap3A_31] : memref<32x8192xf32, #tpu.memory_space<vmem>>, vector<32x8192xf32>
    tpu.vector_store %arg2[%swap3A, %swap3A_31], %select_n3A_30 {strides = array<i32>} : memref<32x8192xf32, #tpu.memory_space<vmem>>, vector<32x8192xf32>,
    return
  }
  func.func @transform_0(%arg0: i32) -> (i32, i32) {
    %c1_i32 = arith.constant 1 : i32
    %c0_i32 = arith.constant 0 : i32
    %c0_i32_0 = arith.constant 0 : i32
    return %c1_i32, %c0_i32 : i32, i32
  }
  func.func @transform_1(%arg0: i32) -> (i32, i32) {
    %c0_i32 = arith.constant 0 : i32
    %c0_i32_0 = arith.constant 0 : i32
    %c0_i32_1 = arith.constant 0 : i32
    return %c0_i32, %c0_i32_0 : i32, i32
  }
}

</mosaic_0001>

<sc_bundles>
// kernel: kernel.4.cloned.1.call-start
scs
__scs_entry_jumppad:
0x0: {  	(pc) =	sbr.rel $0x88, $3  }
0x1: {  	(tag) =	ssettag $0x0;
	lr =	simm.s32 $0x1  }
0x2: {  	[smem:$0x3FA0] =	sst lr;
	_ =	strace $0xD0000000  }
0x3: {  	_ = 	snop  }
0x4: {  	_ = 	snop  }
0x5: {  	_ = 	snop  }
0x6: {  	_ = 	snop  }
0x7: {  	_ = 	snop  }
__scs_overlays_trampoline_lowered:
0x8: {  	[smem:$0x3FAF] =	sst s0  }
0x9: {  	[smem:$0x3FB0] =	sst s1  }
0xa: {  	[smem:$0x3FB1] =	sst s2  }
0xb: {  	[smem:$0x3FB2] =	sst s3  }
0xc: {  	[smem:$0x3FB3] =	sst s4  }
0xd: {  	[smem:$0x3FB4] =	sst s5  }
0xe: {  	[smem:$0x3FB5] =	sst s6  }
0xf: {  	[smem:$0x3FB6] =	sst s7  }
0x10: {  	[smem:$0x3FB7] =	sst s8  }
0x11: {  	[smem:$0x3FB8] =	sst s9;
	s0 =	simm.s32 @!p0 $0x0  }
0x12: {  	s1 =	sld [smem:$0x3F9E];
	s0 =	simm.s32 @p0 $0x1  }
0x13: {  	[smem:$0x3FB9] =	sst s0;
	s0 =	simm.s32 @!p1 $0x0  }
0x14: {  	s2 =	sld [smem:$0x3F9D];
	s0 =	simm.s32 @p1 $0x1  }
0x15: {  	[smem:$0x3FBA] =	sst s0;
	s0 =	simm.s32 @!p2 $0x0  }
0x16: {  	s3 =	sld [smem:$0x3FDB];
	s0 =	simm.s32 @p2 $0x1  }
0x17: {  	s4 =	simm.s32 $0x1BF5;
	[smem:$0x3FBC] =	sst s0  }
0x18: {  	s0 =	sld [smem:$0x3F9F];
	_ =	swait.ge [sflag:s4], $0x0  }
0x19: {  	s7 =	sld [smem:$0x3FA0]  }
0x1a: {  	s8 =	sadd.s32 $0xFFFFE003, lr  }
0x1b: {  	s9 =	sadd.s32 $0xFFFFFEF7, lr;
	s5 =	simm.s32 $0xFFFFFFFF;
	p2 =	slt.u32 s8, $0xFFFFF086  }
0x1c: {  	p1 =	slt.u32 s9, $0xF7A;
	s5 =	simm.s32 @!p2 $0x0  }
0x1d: {  	s5 =	simm.s32 @p1 $0x1;
	p0 =	seq.s32 s7, s2  }
0x1e: {  	s7 =	smul.u32 @!p0 $0xF7A, s2;
	p2 =	seq.s32 @!p0 s5, $0x0  }
0x1f: {  	s9 =	smul.u32 $0xF7A, s1;
	s8 =	simm.s32 @!p0 $0x1BF5;
	p2 =	por !p2, p0  }
0x20: {  	[sflag:s8] =	ssyncset.s32 @!p0 $0xFFFFF086;
	s6 =	sadd.s32 @!p0 s3, s7;
	s7 =	simm.s32 @!p0 $0x108  }
0x21: {  	s3 =	sadd.s32 s3, s9;
	s6 =	sadd.s32 @!p0 $0x88, s6;
	s7 =	simm.s32 @p2 $0x1082  }
0x22: {  	[simem:s7], [sflag:s8] =	dma.local @!p0 [hbm:s6], $0xF7A  }
0x23: {  	s9 =	sor.u32 $0xD0000000, s2;
	s6 =	simm.s32 $0x108;
	_ =	swait.ge @!p0 [sflag:s8], $0x0  }
0x24: {  	s3 =	sadd.s32 $0x88, s3;
	s6 =	simm.s32 @!p1 $0x1082;
	[sflag:s4] =	ssyncset.s32 $0xFFFFF086  }
0x25: {  	[simem:s6], [sflag:s4] =	dma.local [hbm:s3], $0xF7A  }
0x26: {  	[smem:$0x3FA0] =	sst s1;
	(tag) =	ssettag s2;
	_ =	strace s9  }
0x27: {  	s1 =	sld [smem:$0x3FB0]  }
0x28: {  	s2 =	sld [smem:$0x3FB1]  }
0x29: {  	s4 =	sld [smem:$0x3FB3]  }
0x2a: {  	p0 =	seq.s32 s5, $0x0;
	s5 =	sld [smem:$0x3FB4]  }
0x2b: {  	s6 =	sld [smem:$0x3FB5]  }
0x2c: {  	s7 =	sld [smem:$0x3FB6]  }
0x2d: {  	s3 =	simm.s32 $0x108;
	s8 =	sld [smem:$0x3FB7]  }
0x2e: {  	s3 =	simm.s32 @!p0 $0x1082;
	s9 =	sld [smem:$0x3FB8]  }
0x2f: {  	lr =	sadd.s32 s0, s3;
	s0 =	sld [smem:$0x3FAF]  }
0x30: {  	s3 =	sld [smem:$0x3FB2]  }
0x31: {  	[smem:$0x3FBB] =	sst s10  }
0x32: {  	s10 =	sld [smem:$0x3FB9];
	_ =	sdelay $0x3  }
0x33: {  	p0 =	seq.s32 s10, $0x1;
	s10 =	sld [smem:$0x3FBB];
	_ =	sdelay $0x3  }
0x34: {  	[smem:$0x3FBB] =	sst s10  }
0x35: {  	s10 =	sld [smem:$0x3FBA];
	_ =	sdelay $0x3  }
0x36: {  	p1 =	seq.s32 s10, $0x1;
	s10 =	sld [smem:$0x3FBB];
	_ =	sdelay $0x3  }
0x37: {  	[smem:$0x3FBB] =	sst s10  }
0x38: {  	s10 =	sld [smem:$0x3FBC]  }
0x39: {  	_ = 	snop;
	(pc) =	sbr.ind lr, $3  }
0x3a: {  	_ = 	snop  }
0x3b: {  	_ = 	snop  }
0x3c: {  	p2 =	seq.s32 s10, $0x1;
	s10 =	sld [smem:$0x3FBB]  }
0x3d: {  	_ =	shalt  }
0x3e: {  	_ =	shalt  }
0x3f: {  	_ =	shalt  }
0x40: {  	_ =	shalt  }
0x41: {  	_ =	shalt  }
0x42: {  	_ =	shalt  }
0x43: {  	_ =	shalt  }
0x44: {  	_ =	shalt  }
0x45: {  	_ =	shalt  }
0x46: {  	_ =	shalt  }
0x47: {  	_ =	shalt  }
0x48: {  	_ =	shalt  }
0x49: {  	_ =	shalt  }
0x4a: {  	_ =	shalt  }
0x4b: {  	_ =	shalt  }
0x4c: {  	_ =	shalt  }
0x4d: {  	_ =	shalt  }
0x4e: {  	_ =	shalt  }
0x4f: {  	_ =	shalt  }
0x50: {  	_ =	shalt  }
0x51: {  	_ =	shalt  }
0x52: {  	_ =	shalt  }
0x53: {  	_ =	shalt  }
0x54: {  	_ =	shalt  }
0x55: {  	_ =	shalt  }
0x56: {  	_ =	shalt  }
0x57: {  	_ =	shalt  }
0x58: {  	_ =	shalt  }
0x59: {  	_ =	shalt  }
0x5a: {  	_ =	shalt  }
0x5b: {  	_ =	shalt  }
0x5c: {  	_ =	shalt  }
0x5d: {  	_ =	shalt  }
0x5e: {  	_ =	shalt  }
0x5f: {  	_ =	shalt  }
0x60: {  	_ =	shalt  }
0x61: {  	_ =	shalt  }
0x62: {  	_ =	shalt  }
0x63: {  	_ =	shalt  }
0x64: {  	_ =	shalt  }
0x65: {  	_ =	shalt  }
0x66: {  	_ =	shalt  }
0x67: {  	_ =	shalt  }
0x68: {  	_ =	shalt  }
0x69: {  	_ =	shalt  }
0x6a: {  	_ =	shalt  }
0x6b: {  	_ =	shalt  }
0x6c: {  	_ =	shalt  }
0x6d: {  	_ =	shalt  }
0x6e: {  	_ =	shalt  }
0x6f: {  	_ =	shalt  }
0x70: {  	_ =	shalt  }
0x71: {  	_ =	shalt  }
0x72: {  	_ =	shalt  }
0x73: {  	_ =	shalt  }
0x74: {  	_ =	shalt  }
0x75: {  	_ =	shalt  }
0x76: {  	_ =	shalt  }
0x77: {  	_ =	shalt  }
0x78: {  	_ =	shalt  }
0x79: {  	_ =	shalt  }
0x7a: {  	_ =	shalt  }
0x7b: {  	_ =	shalt  }
0x7c: {  	_ =	shalt  }
0x7d: {  	_ =	shalt  }
0x7e: {  	_ =	shalt  }
0x7f: {  	_ =	shalt  }
0x80: {  	_ =	shalt  }
0x81: {  	_ =	shalt  }
0x82: {  	_ =	shalt  }
0x83: {  	_ =	shalt  }
0x84: {  	_ =	shalt  }
0x85: {  	_ =	shalt  }
0x86: {  	_ =	shalt  }
0x87: {  	_ =	shalt  }
.Lfunc_end0:
.L_simem_size_0:
called_computation_lowered:
.L_overlay_start_0:
0x88: {  	s2 =	sld [smem:$0x3FD9]  }
0x89: {  	s3 =	sld [smem:$0x3FFE];
	_ =	sdelay $0x1  }
0x8a: {  	s1 =	srdreg.scid  }
0x8b: {  	s0 =	sand.u32 $0x1, s1  }
0x8c: {  	s17 =	sshll.u32 s0, $0xA;
	s2 =	sadd.s32 s3, s2  }
0x8d: {  	s2 =	sadd.s32 s2, s17  }
0x8e: {  	[smem:$0x3FC7] =	sst s2  }
0x8f: {  	_ = 	snop  }
0x90: {  	s2 =	sld [smem:$0x3FC9];
	(tm) =	ssettm $0x1  }
0x91: {  	s18 =	sld [smem:$0x3FFB];
	_ =	sdelay $0x3  }
0x92: {  	_ =	strace s18  }
0x93: {  	s3 =	sld [smem:$0x3FFC];
	_ =	sdelay $0x3  }
0x94: {  	_ =	strace s3  }
0x95: {  	s3 =	sld [smem:$0x3FFD];
	_ =	sdelay $0x3  }
0x96: {  	_ =	strace s3  }
0x97: {  	_ =	strace $0x8FFFFFFF  }
0x98: {  	s19 =	sld [smem:$0x3FDB];
	_ =	sdelay $0x1  }
0x99: {  	s4 =	simm.s32 $_scs_section_size  }
0x9a: {  	s5 =	simm.s32 $_size__tile_overlayer_lowered;
	s6 =	simm.s32 $_tile_overlayer_lowered  }
0x9b: {  	s22 =	simm.s32 $0x1BFF;
	s21 =	sshll.u32 s6, $0x1;
	s3 =	sadd.s32 s4, s19  }
0x9c: {  	s7 =	simm.s32 $0x0;
	s20 =	sshll.u32 s5, $0x1;
	s5 =	sadd.s32 s21, s3  }
0x9d: {  	[timem:s7], [sflag:s22] =	dma.local [hbm:s5], s20  }
0x9e: {  	_ =	swait.ge [sflag:s22], s20  }
0x9f: {  	s4 =	ssub.s32 $0x0, s20;
	[sflag:s22] =	ssyncset.done $0x0  }
0xa0: {  	[sflag:s22] =	ssyncadd.s32 s4;
	_ =	sdelay $0x1  }
0xa1: {  	s23 =	simm.s32 $0x1B8B  }
0xa2: {  	_ =	swait.ge [sflag:s23], $0x1  }
0xa3: {  	[sflag:s23] =	ssyncset.done $0x0  }
0xa4: {  	s25 =	simm.s32 $0x1B8E;
	s24 =	sld [smem:$0x3FFE];
	[sflag:s23] =	ssyncadd.s32 $0xFFFFFFFF  }
0xa5: {  	s26 =	simm.s32 $execute0_lowered;
	[smem:$0x3FD2] =	sst s25  }
0xa6: {  	s5 =	sshll.u32 s26, $0x1;
	_ =	strace $0x80000046;
	[dreg:$0x1] =	wrdreg $0xFFFFFFFF  }
0xa7: {  	s28 =	simm.s32 $_size_execute0_lowered;
	s3 =	sadd.s32 s3, s5;
	[dreg:$0x0] =	wrdreg $0x0  }
0xa8: {  	s5 =	sshll.u32 s28, $0x1;
	[dreg:$0x2] =	wrdreg s3  }
0xa9: {  	[dreg:$0x3] =	wrdreg s5  }
0xaa: {  	[dreg:$0x4] =	wrdreg $0xC0  }
0xab: {  	_ =	task [dreg:s7], $0x5FFFF  }
0xac: {  	[dreg:$0x1] =	wrdreg $0xFFFFFFFF  }
0xad: {  	[dreg:$0x0] =	wrdreg $0x60  }
0xae: {  	[dreg:$0x2] =	wrdreg s2  }
0xaf: {  	[dreg:$0x3] =	wrdreg s24  }
0xb0: {  	[dreg:$0x4] =	wrdreg $0x9  }
0xb1: {  	_ =	task.clear_ibuf [dreg:s7], $0x5FFFF;
	_ =	strace $0x90000046  }
0xb2: {  	s29 =	simm.s32 $0x9;
	_ =	strace $0x80000048  }
0xb3: {  	_ =	swait.ge [sflag:s29], $0x1  }
0xb4: {  	[sflag:s29] =	ssyncadd.s32 $0xFFFFFFFF  }
0xb5: {  	_ =	strace $0x90000048  }
0xb6: {  	_ =	sfence  }
0xb7: {  	s30 =	sld [smem:$0x0];
	_ =	sdelay $0x2  }
0xb8: {  	s31 =	sshll.u32 s1, $0xD;
	s1 =	sshrl.u32 s1, $0x2  }
0xb9: {  	s3 =	sand.u32 $0x4000, s31;
	s1 =	sadd.s32 s1, s30  }
0xba: {  	s0 =	sor.u32 s3, s0;
	s1 =	sshll.u32 s1, $0x11  }
0xbb: {  	s0 =	sor.u32 s1, s0  }
0xbc: {  	s0 =	sadd.s32 $0x8F2B, s0  }
0xbd: {  	[sflag:s0] =	ssyncadd.remote.s32 $0x1  }
0xbe: {  	_ =	sfence.sel $0xFFFF  }
0xbf: {  	[dreg:$0x0] =	wrdreg $0xFFFFFFFF;
	(pc) =	sbr.abs _section_cstart, $3  }
0xc0: {  	[dreg:$0x1] =	wrdreg $0xFFFFFFFF  }
0xc1: {  	_ =	task.clear_ibuf [dreg:s7], $0x2FFFF;
	_ =	strace $0x9FFFFFFF  }
0xc2: {  	(tm) =	ssettm $0x7FFFFFFF  }
0xc3: {  	_ =	shalt  }
tec
execute0_lowered:
.L_overlay_start_1:
0x0: {  	(tag) =	ssettag $0x1  }
0x1: {  	s3 =	rddreg [dreg:$0x0]  }
0x2: {  	s4 =	rddreg [dreg:$0x1]  }
0x3: {  	s2 =	srdreg.scid;
	s1 =	stileid.u32  }
0x4: {  	v0 =	vlaneseq.u32;
	s0 =	rddreg [dreg:$0x2];
	s9 =	simm.s32 $0x8000;
	s10 =	simm.s32 $0x9080  }
0x5: {  	s11 =	simm.s32 $0x4000;
	s12 =	simm.s32 $0x6000;
	s13 =	simm.s32 $0x0;
	v1 =	vmul.u32 $0x101, v0;
	v2 =	vmul.u32 $0x10, v0  }
0x6: {  	v3 =	vimm.s32 $0x0;
	v5 =	vimm.s32 $0x1;
	s5 =	sand.u32 $0x1, s2;
	s30 =	sshll.u32 s1, $0x5;
	s6 =	sshll.u32 s1, $0xB  }
0x7: {  	s2 =	simm.s32 $0x0;
	v21 =	vmul.u32 $0xFFFFFFFF, v0;
	s7 =	sshll.u32 s5, $0x4;
	s8 =	sand.u32 $0x60, s30;
	v4 =	vadd.s32 $0x80, v1;
	v6 =	vor.u32 $0x1, v2  }
0x8: {  	s6 =	sand.u32 $0x6000, s6;
	[smem:$0x7FF] =	sst s2;
	s5 =	ssub.s32 $0x2, s5;
	v7 =	vor.u32 $0x2, v2;
	v8 =	vor.u32 $0x3, v2;
	v9 =	vor.u32 $0x4, v2  }
0x9: {  	s7 =	sor.u32 s7, s8;
	_ =	strace $0x80000047;
	s31 =	sshrl.u32 s5, $0x1;
	v10 =	vor.u32 $0x5, v2;
	v11 =	vor.u32 $0x6, v2;
	v12 =	vor.u32 $0x7, v2  }
0xa: {  	v13 =	vor.u32 $0x8, v2;
	v14 =	vor.u32 $0x9, v2;
	v15 =	vor.u32 $0xA, v2;
	s8 =	simm.s32 $0x1;
	s6 =	sor.u32 s6, s7;
	s5 =	ssub.s32 s5, s31  }
0xb: {  	v16 =	vor.u32 $0xB, v2;
	v17 =	vor.u32 $0xC, v2;
	v18 =	vor.u32 $0xD, v2;
	s7 =	simm.s32 $0x400;
	s4 =	sadd.s32 s6, s4;
	s3 =	sadd.s32 s3, s6  }
0xc: {  	v19 =	vor.u32 $0xE, v2;
	v20 =	vor.u32 $0xF, v2;
	v21 =	vadd.s32 $0xF, v21;
	s5 =	smax.u32 s5, $0x1;
	s6 =	simm.s32 $0x80;
	s4 =	sadd.s32 $0x600, s4  }
.LBB2_1:
0xd: {  	[tilespmem:s2], [sflag:$0x1] =	stream.strided.gather [hbm4b:s3+s6], $0x2000, s7, s6, $0x38;
	[tilespmem:$0x9180] =	vst v63  }
0xe: {  	_ =	swait.ge [sflag:s8], $0x2000  }
0xf: {  	[sflag:s8] =	ssyncset.done $0x0  }
0x10: {  	s16 =	simm.s32 $0x8040;
	[sflag:s8] =	ssyncadd.s32 $0xFFFFE000  }
0x11: {  	[tilespmem:s16+$0xFFFFFFC0] =	vst v3  }
0x12: {  	[tilespmem:s16+$0x30] =	vst v3  }
0x13: {  	[tilespmem:s16+$0x20] =	vst v3  }
0x14: {  	[tilespmem:s16+$0x10] =	vst v3  }
0x15: {  	[tilespmem:s16+$0x0] =	vst v3  }
0x16: {  	[tilespmem:s16+$0xFFFFFFF0] =	vst v3  }
0x17: {  	s17 =	simm.s32 $0x0;
	s15 =	simm.s32 $0x2040;
	[tilespmem:s16+$0xFFFFFFE0] =	vst v3  }
.LBB2_2:
0x18: {  	s17 =	sadd.s32 $0x8, s17;
	[tilespmem:s16+$0xFFFFFFD0] =	vst v3;
	s16 =	sadd.s32 $0x80, s16;
	s14 =	simm.s32 $0x40  }
0x19: {  	[tilespmem:s16+$0xFFFFFFC0] =	vst v3;
	p0 =	slt.u32 s17, $0x100  }
0x1a: {  	[tilespmem:s16+$0x30] =	vst v3  }
.Ltmp0:
0x1b: {  	[tilespmem:s16+$0x20] =	vst v3;
	(pc) =	sbr.rel @p0 .LBB2_2-.Ltmp0, $4  }
0x1c: {  	[tilespmem:s16+$0x10] =	vst v3  }
0x1d: {  	[tilespmem:s16+$0x0] =	vst v3  }
0x1e: {  	[tilespmem:s16+$0xFFFFFFF0] =	vst v3  }
0x1f: {  	[tilespmem:s16+$0xFFFFFFE0] =	vst v3  }
0x20: {  	[tilespmem:s16+$0xFFFFFFD0] =	vst v3  }
0x21: {  	v22 =	vld [tilespmem:s14+$0xFFFFFFD0]  }
0x22: {  	v23 =	vld [tilespmem:s14+$0xFFFFFFC0]  }
0x23: {  	v26 =	vld [tilespmem:s14+$0xFFFFFFE0]  }
0x24: {  	v24 =	vld [tilespmem:s14+$0x20];
	_ =	sdelay $0x1  }
0x25: {  	v29 =	vld [tilespmem:s14+$0xFFFFFFF0]  }
0x26: {  	v25 =	vxor.u32 $0x7FFFFFFF, v23;
	v27 =	vxor.u32 $0x7FFFFFFF, v22;
	vm0 =	vlt.s32 v22, $0x0  }
0x27: {  	vm1 =	vlt.s32 v23, $0x0;
	v28 =	vxor.u32 $0x7FFFFFFF, v26;
	v22 =	vsel vm0, v27, v22  }
0x28: {  	v27 =	vxor.u32 $0x7FFFFFFF, v24;
	v31 =	vsel vm1, v25, v23;
	vm0 =	vlt.s32 v26, $0x0;
	v25 =	vld [tilespmem:s14+$0x10]  }
0x29: {  	vm1 =	vlt.s32 v24, $0x0;
	v23 =	vshra.s32 v22, $0x18;
	v30 =	vsel vm0, v28, v26  }
0x2a: {  	v26 =	vxor.u32 $0x7FFFFFFF, v29;
	v27 =	vsel vm1, v27, v24;
	vm0 =	vlt.s32 v29, $0x0;
	v28 =	vld [tilespmem:s14+$0x0]  }
0x2b: {  	v33 =	vshra.s32 v31, $0x18;
	v23 =	vadd.s32 v4, v23;
	v24 =	vshra.s32 v30, $0x18  }
0x2c: {  	s17 =	simm.s32 $0x0;
	s18 =	simm.s32 $0xC0;
	[tilespmem:s15+$0xFFFFFFD0] =	vst v22;
	v32 =	vshra.s32 v27, $0x18;
	v22 =	vsel vm0, v26, v29;
	v26 =	vadd.s32 v4, v33  }
0x2d: {  	s16 =	simm.s32 $0xF1F;
	s19 =	simm.s32 $0x2040;
	[tilespmem:s15+$0xFFFFFFC0] =	vst v31;
	v29 =	vld [tilespmem:s14+$0x30];
	s14 =	simm.s32 $0x9090;
	v24 =	vadd.s32 v4, v24;
	v31 =	vadd.s32 v4, v32;
	vm0 =	vlt.s32 v25, $0x0  }
.LBB2_4:
0x2e: {  	v32 =	vld [tilespmem:s18+$0xFFFFFFD0];
	s17 =	sadd.s32 $0x8, s17;
	[tilespmem:s15+$0xFFFFFFE0] =	vst v30;
	v30 =	vshra.s32 v22, $0x18;
	v33 =	vxor.u32 $0x7FFFFFFF, v25;
	s19 =	sadd.s32 $0x80, s19  }
0x2f: {  	v34 =	vld [tilespmem:s18+$0xFFFFFFC0];
	p0 =	slt.u32 s17, $0x1F8;
	v35 =	vxor.u32 $0x7FFFFFFF, v28;
	vm1 =	vlt.s32 v28, $0x0;
	v25 =	vsel vm0, v33, v25;
	[tilespmem:s15+$0x20] =	vst v27  }
0x30: {  	v27 =	vld [tilespmem:s18+$0xFFFFFFE0];
	v28 =	vsel vm1, v35, v28;
	[tilespmem:s15+$0x10] =	vst v25;
	v25 =	vshra.s32 v25, $0x18  }
0x31: {  	v33 =	vld [tilespmem:s18+$0x20];
	[tilespmem:s15+$0x0] =	vst v28;
	v28 =	vshra.s32 v28, $0x18;
	v25 =	vadd.s32 v4, v25  }
0x32: {  	v28 =	vadd.s32 v4, v28;
	[tilespmem:v31+s9+$0x0] =	vst.idx.add.s32.msk $0xffff, v5;
	v31 =	vxor.u32 $0x7FFFFFFF, v29;
	vm0 =	vlt.s32 v29, $0x0  }
0x33: {  	[tilespmem:v26+s9+$0x0] =	vst.idx.add.s32.msk $0xffff, v5;
	v26 =	vsel vm0, v31, v29  }
0x34: {  	v29 =	vld [tilespmem:s18+$0xFFFFFFF0];
	[tilespmem:s15+$0x30] =	vst v26;
	v26 =	vshra.s32 v26, $0x18  }
0x35: {  	v31 =	vadd.s32 v4, v30;
	[tilespmem:v23+s9+$0x0] =	vst.idx.add.s32.msk $0xffff, v5;
	v26 =	vadd.s32 v4, v26  }
0x36: {  	v30 =	vxor.u32 $0x7FFFFFFF, v32;
	vm0 =	vlt.s32 v32, $0x0;
	v23 =	vxor.u32 $0x7FFFFFFF, v34;
	[tilespmem:v25+s9+$0x0] =	vst.idx.add.s32.msk $0xffff, v5  }
0x37: {  	vm1 =	vlt.s32 v34, $0x0;
	v25 =	vsel vm0, v30, v32;
	v32 =	vxor.u32 $0x7FFFFFFF, v33;
	[tilespmem:v28+s9+$0x0] =	vst.idx.add.s32.msk $0xffff, v5  }
0x38: {  	v34 =	vsel vm1, v23, v34;
	vm0 =	vlt.s32 v27, $0x0;
	v23 =	vshra.s32 v25, $0x18;
	[tilespmem:s19+$0xFFFFFFD0] =	vst v25;
	v25 =	vld [tilespmem:s18+$0x10]  }
.Ltmp1:
0x39: {  	vm1 =	vlt.s32 v33, $0x0;
	v28 =	vxor.u32 $0x7FFFFFFF, v27;
	v23 =	vadd.s32 v4, v23;
	[tilespmem:v24+s9+$0x0] =	vst.idx.add.s32.msk $0xffff, v5;
	(pc) =	sbr.rel @p0 .LBB2_4-.Ltmp1, $4  }
0x3a: {  	v30 =	vsel vm0, v28, v27;
	v27 =	vsel vm1, v32, v33;
	v35 =	vxor.u32 $0x7FFFFFFF, v29;
	v28 =	vld [tilespmem:s18+$0x0];
	[tilespmem:s15+$0xFFFFFFF0] =	vst v22;
	s15 =	smov.u32 s19  }
0x3b: {  	vm0 =	vlt.s32 v29, $0x0;
	v32 =	vshra.s32 v27, $0x18;
	v22 =	vshra.s32 v30, $0x18;
	[tilespmem:v26+s9+$0x0] =	vst.idx.add.s32.msk $0xffff, v5  }
0x3c: {  	v26 =	vshra.s32 v34, $0x18;
	v24 =	vadd.s32 v4, v22;
	v22 =	vsel vm0, v35, v29;
	[tilespmem:v31+s9+$0x0] =	vst.idx.add.s32.msk $0xffff, v5  }
0x3d: {  	v26 =	vadd.s32 v4, v26;
	v31 =	vadd.s32 v4, v32;
	[tilespmem:s19+$0xFFFFFFC0] =	vst v34;
	vm0 =	vlt.s32 v25, $0x0;
	v29 =	vld [tilespmem:s18+$0x30];
	s18 =	sadd.s32 $0x80, s18  }
0x3e: {  	_ =	sdelay $0x1  }
0x3f: {  	[tilespmem:s15+$0xFFFFFFE0] =	vst v30  }
0x40: {  	v30 =	vxor.u32 $0x7FFFFFFF, v25;
	[tilespmem:s15+$0x20] =	vst v27  }
0x41: {  	[tilespmem:v26+s9+$0x0] =	vst.idx.add.s32.msk $0xffff, v5;
	v32 =	vxor.u32 $0x7FFFFFFF, v28;
	vm1 =	vlt.s32 v28, $0x0;
	v25 =	vsel vm0, v30, v25  }
0x42: {  	v27 =	vsel vm1, v32, v28;
	[tilespmem:s15+$0x10] =	vst v25;
	v25 =	vshra.s32 v25, $0x18  }
0x43: {  	[tilespmem:v23+s9+$0x0] =	vst.idx.add.s32.msk $0xffff, v5;
	v25 =	vadd.s32 v4, v25;
	v28 =	vxor.u32 $0x7FFFFFFF, v29;
	vm15 =	vlt.s32 v29, $0x0  }
0x44: {  	[tilespmem:s15+$0x0] =	vst v27;
	v27 =	vshra.s32 v27, $0x18;
	v26 =	vsel vm15, v28, v29  }
0x45: {  	v27 =	vadd.s32 v4, v27;
	[tilespmem:s15+$0x30] =	vst v26;
	v26 =	vshra.s32 v26, $0x18  }
0x46: {  	[tilespmem:s15+$0xFFFFFFF0] =	vst v22;
	v28 =	vshra.s32 v22, $0x18;
	v23 =	vadd.s32 v4, v26  }
0x47: {  	s17 =	simm.s32 $0x10;
	[tilespmem:v31+s9+$0x0] =	vst.idx.add.s32.msk $0xffff, v5;
	v26 =	vadd.s32 v4, v28  }
0x48: {  	s30 =	simm.s32 $0x111;
	[tilespmem:v25+s9+$0x0] =	vst.idx.add.s32.msk $0xffff, v5;
	v25 =	vor.u32 s17, v0  }
0x49: {  	s31 =	simm.s32 $0x212;
	[tilespmem:v24+s9+$0x0] =	vst.idx.add.s32.msk $0xffff, v5;
	v24 =	vadd.s32 s30, v0  }
0x4a: {  	s21 =	simm.s32 $0x616;
	v22 =	vadd.s32 s31, v0;
	[tilespmem:v27+s9+$0x0] =	vst.idx.add.s32.msk $0xffff, v5  }
0x4b: {  	s22 =	simm.s32 $0x717;
	v28 =	vadd.s32 s21, v0;
	[tilespmem:v23+s9+$0x0] =	vst.idx.add.s32.msk $0xffff, v5  }
0x4c: {  	s23 =	simm.s32 $0x818;
	v29 =	vadd.s32 s22, v0;
	[tilespmem:v26+s9+$0x0] =	vst.idx.add.s32.msk $0xffff, v5  }
0x4d: {  	s24 =	simm.s32 $0x919;
	v30 =	vadd.s32 s23, v0;
	v25 =	vld.idx.msk [tilespmem:v25+s9+$0x0], $0xffff  }
0x4e: {  	s18 =	simm.s32 $0x313;
	v31 =	vadd.s32 s24, v0;
	v24 =	vld.idx.msk [tilespmem:v24+s9+$0x0], $0xffff  }
0x4f: {  	s19 =	simm.s32 $0x414;
	v23 =	vadd.s32 s18, v0;
	v22 =	vld.idx.msk [tilespmem:v22+s9+$0x0], $0xffff  }
0x50: {  	s20 =	simm.s32 $0x515;
	v26 =	vadd.s32 s19, v0;
	v28 =	vld.idx.msk [tilespmem:v28+s9+$0x0], $0xffff  }
0x51: {  	s30 =	simm.s32 $0xE1E;
	v27 =	vadd.s32 s20, v0;
	v29 =	vld.idx.msk [tilespmem:v29+s9+$0x0], $0xffff  }
0x52: {  	v36 =	vadd.s32 s30, v0;
	v30 =	vld.idx.msk [tilespmem:v30+s9+$0x0], $0xffff  }
0x53: {  	s25 =	simm.s32 $0xA1A;
	v59 =	vadd.s32 s16, v0;
	v31 =	vld.idx.msk [tilespmem:v31+s9+$0x0], $0xffff  }
0x54: {  	s26 =	simm.s32 $0xB1B;
	v58 =	vadd.s32 s25, v0;
	v23 =	vld.idx.msk [tilespmem:v23+s9+$0x0], $0xffff  }
0x55: {  	s28 =	simm.s32 $0xC1C;
	v33 =	vadd.s32 s26, v0;
	v26 =	vld.idx.msk [tilespmem:v26+s9+$0x0], $0xffff  }
0x56: {  	v34 =	vadd.s32 s28, v0;
	s18 =	simm.s32 $0x202;
	v27 =	vld.idx.msk [tilespmem:v27+s9+$0x0], $0xffff  }
0x57: {  	s29 =	simm.s32 $0xD1D;
	v61 =	vadd.s32 s18, v0;
	v36 =	vld.idx.msk [tilespmem:v36+s9+$0x0], $0xffff;
	v24 =	vadd.s32 v25, v24  }
0x58: {  	v35 =	vadd.s32 s29, v0;
	s31 =	simm.s32 $0x0;
	v38 =	vld.idx.msk [tilespmem:v59+s9+$0x0], $0xffff;
	v22 =	vadd.s32 v22, v24  }
0x59: {  	v37 =	vor.u32 s31, v0;
	s17 =	simm.s32 $0x101;
	v25 =	vld.idx.msk [tilespmem:v58+s9+$0x0], $0xffff;
	v22 =	vadd.s32 v23, v22  }
0x5a: {  	v60 =	vadd.s32 s17, v0;
	s19 =	simm.s32 $0x303;
	v24 =	vld.idx.msk [tilespmem:v33+s9+$0x0], $0xffff;
	v22 =	vadd.s32 v26, v22  }
0x5b: {  	s22 =	simm.s32 $0x606;
	v62 =	vadd.s32 s19, v0;
	v23 =	vld.idx.msk [tilespmem:v34+s9+$0x0], $0xffff;
	v22 =	vadd.s32 v27, v22  }
0x5c: {  	v63 =	vadd.s32 s22, v0;
	s20 =	simm.s32 $0x404;
	v34 =	vld.idx.msk [tilespmem:v61+s9+$0x0], $0xffff;
	v22 =	vadd.s32 v28, v22  }
0x5d: {  	s21 =	simm.s32 $0x505;
	v26 =	vld.idx.msk [tilespmem:v35+s9+$0x0], $0xffff;
	v27 =	vadd.s32 s20, v0;
	v22 =	vadd.s32 v29, v22  }
0x5e: {  	s23 =	simm.s32 $0x707;
	v28 =	vadd.s32 s21, v0;
	v29 =	vld.idx.msk [tilespmem:v37+s9+$0x0], $0xffff;
	v22 =	vadd.s32 v30, v22  }
0x5f: {  	s24 =	simm.s32 $0x808;
	v39 =	vadd.s32 s23, v0;
	v30 =	vld.idx.msk [tilespmem:v60+s9+$0x0], $0xffff;
	v22 =	vadd.s32 v31, v22  }
0x60: {  	s25 =	simm.s32 $0x909;
	v40 =	vadd.s32 s24, v0;
	v35 =	vld.idx.msk [tilespmem:v62+s9+$0x0], $0xffff;
	v22 =	vadd.s32 v25, v22  }
0x61: {  	s26 =	simm.s32 $0xA0A;
	v41 =	vadd.s32 s25, v0;
	v31 =	vld.idx.msk [tilespmem:v63+s9+$0x0], $0xffff;
	v22 =	vadd.s32 v24, v22  }
0x62: {  	s28 =	simm.s32 $0xB0B;
	v33 =	vld.idx.msk [tilespmem:v27+s9+$0x0], $0xffff;
	v27 =	vadd.s32 s26, v0;
	v23 =	vadd.s32 v23, v22  }
0x63: {  	s29 =	simm.s32 $0xC0C;
	v32 =	vld.idx.msk [tilespmem:v28+s9+$0x0], $0xffff;
	v22 =	vadd.s32 s28, v0;
	v24 =	vadd.s32 v26, v23  }
0x64: {  	s30 =	simm.s32 $0xD0D;
	v28 =	vld.idx.msk [tilespmem:v39+s9+$0x0], $0xffff;
	v23 =	vadd.s32 s29, v0;
	v26 =	vadd.s32 v29, v30;
	v24 =	vadd.s32 v36, v24  }
0x65: {  	s31 =	simm.s32 $0xE0E;
	s18 =	simm.s32 $0xF0F;
	v25 =	vadd.s32 s30, v0;
	v29 =	vld.idx.msk [tilespmem:v40+s9+$0x0], $0xffff;
	v34 =	vadd.s32 v34, v26;
	v30 =	vadd.s32 v38, v24  }
0x66: {  	s16 =	simm.s32 $0xF3F;
	s15 =	simm.s32 $0x0;
	v26 =	vadd.s32 s31, v0;
	v24 =	vadd.s32 s18, v0;
	v34 =	vadd.s32 v35, v34;
	[tilespmem:s14+$0x0] =	vst v30;
	v30 =	vld.idx.msk [tilespmem:v41+s9+$0x0], $0xffff  }
.LBB2_6:
0x67: {  	s17 =	sadd.s32 $0xFFFFF0E1, s16;
	s18 =	sadd.s32 $0xFFFFF1E2, s16;
	s19 =	sadd.s32 $0xFFFFF0F1, s16;
	v33 =	vadd.s32 v33, v34;
	v34 =	vld.idx.msk [tilespmem:v27+s9+$0x0], $0xffff  }
0x68: {  	s15 =	sadd.s32 $0x2, s15;
	v35 =	vor.u32 s17, v0;
	v36 =	vadd.s32 s18, v0;
	s17 =	sadd.s32 $0xFFFFF2E3, s16;
	v27 =	vor.u32 s19, v0;
	s18 =	sadd.s32 $0xFFFFF1F2, s16;
	v37 =	vld.idx.msk [tilespmem:v22+s9+$0x0], $0xffff  }
0x69: {  	p0 =	slt.u32 s15, $0xE;
	v22 =	vadd.s32 v32, v33;
	v38 =	vadd.s32 s17, v0;
	s17 =	sadd.s32 $0xFFFFF3E4, s16;
	v39 =	vadd.s32 s18, v0;
	s18 =	sadd.s32 $0xFFFFF2F3, s16;
	v32 =	vld.idx.msk [tilespmem:v23+s9+$0x0], $0xffff  }
0x6a: {  	s19 =	sadd.s32 $0xFFFFF5E6, s16;
	v31 =	vadd.s32 v31, v22;
	v33 =	vadd.s32 s17, v0;
	s17 =	sadd.s32 $0xFFFFF4E5, s16;
	v40 =	vadd.s32 s18, v0;
	s18 =	sadd.s32 $0xFFFFF3F4, s16;
	v41 =	vld.idx.msk [tilespmem:v25+s9+$0x0], $0xffff  }
0x6b: {  	v43 =	vadd.s32 s19, v0;
	s19 =	sadd.s32 $0xFFFFF7E8, s16;
	v42 =	vadd.s32 s17, v0;
	s17 =	sadd.s32 $0xFFFFF6E7, s16;
	v44 =	vadd.s32 s18, v0;
	s18 =	sadd.s32 $0xFFFFF4F5, s16;
	v45 =	vld.idx.msk [tilespmem:v26+s9+$0x0], $0xffff  }
0x6c: {  	v47 =	vadd.s32 s19, v0;
	s19 =	sadd.s32 $0xFFFFF9EA, s16;
	v46 =	vadd.s32 s17, v0;
	s17 =	sadd.s32 $0xFFFFF8E9, s16;
	v48 =	vadd.s32 s18, v0;
	s18 =	sadd.s32 $0xFFFFF5F6, s16;
	v49 =	vld.idx.msk [tilespmem:v24+s9+$0x0], $0xffff  }
0x6d: {  	v51 =	vadd.s32 s19, v0;
	s19 =	sadd.s32 $0xFFFFFBEC, s16;
	v50 =	vadd.s32 s17, v0;
	s17 =	sadd.s32 $0xFFFFFAEB, s16;
	v52 =	vld.idx.msk [tilespmem:v27+s9+$0x0], $0xffff;
	v53 =	vadd.s32 s18, v0;
	s18 =	sadd.s32 $0xFFFFF6F7, s16  }
0x6e: {  	v22 =	vadd.s32 s19, v0;
	s19 =	sadd.s32 $0xFFFFFDEE, s16;
	v27 =	vadd.s32 s17, v0;
	s17 =	sadd.s32 $0xFFFFFCED, s16;
	v39 =	vld.idx.msk [tilespmem:v39+s9+$0x0], $0xffff;
	v54 =	vadd.s32 s18, v0;
	s18 =	sadd.s32 $0xFFFFF7F8, s16  }
0x6f: {  	s20 =	sadd.s32 $0xFFFFFFF0, s16;
	v24 =	vadd.s32 v28, v31;
	v23 =	vadd.s32 s17, v0;
	s17 =	sadd.s32 $0xFFFFFEEF, s16;
	v40 =	vld.idx.msk [tilespmem:v40+s9+$0x0], $0xffff;
	v55 =	vadd.s32 s18, v0;
	s18 =	sadd.s32 $0xFFFFF8F9, s16  }
0x70: {  	v25 =	vadd.s32 s19, v0;
	v24 =	vadd.s32 v29, v24;
	v28 =	vld.idx.msk [tilespmem:v44+s9+$0x0], $0xffff;
	v31 =	vadd.s32 s18, v0;
	s18 =	sadd.s32 $0xFFFFF9FA, s16  }
0x71: {  	v30 =	vadd.s32 v30, v24;
	v26 =	vadd.s32 s17, v0;
	s17 =	sadd.s32 $0xFFFFFAFB, s16;
	v29 =	vld.idx.msk [tilespmem:v48+s9+$0x0], $0xffff;
	v44 =	vadd.s32 s18, v0  }
0x72: {  	v24 =	vadd.s32 s20, v0;
	v30 =	vadd.s32 v34, v30;
	v48 =	vld.idx.msk [tilespmem:v53+s9+$0x0], $0xffff;
	v53 =	vadd.s32 s17, v0;
	s17 =	sadd.s32 $0xFFFFFBFC, s16  }
0x73: {  	v30 =	vadd.s32 v37, v30;
	v34 =	vld.idx.msk [tilespmem:v54+s9+$0x0], $0xffff;
	v54 =	vadd.s32 s17, v0;
	s17 =	sadd.s32 $0xFFFFFCFD, s16  }
0x74: {  	v30 =	vadd.s32 v32, v30;
	v37 =	vadd.s32 v52, v39;
	v39 =	vld.idx.msk [tilespmem:v55+s9+$0x0], $0xffff;
	v52 =	vadd.s32 s17, v0;
	s17 =	sadd.s32 $0xFFFFFDFE, s16  }
0x75: {  	v30 =	vadd.s32 v41, v30;
	v32 =	vadd.s32 v40, v37;
	v31 =	vld.idx.msk [tilespmem:v31+s9+$0x0], $0xffff;
	v37 =	vadd.s32 s17, v0;
	s17 =	sadd.s32 $0xFFFFFEFF, s16  }
0x76: {  	v30 =	vadd.s32 v45, v30;
	v28 =	vadd.s32 v28, v32;
	v32 =	vld.idx.msk [tilespmem:v44+s9+$0x0], $0xffff;
	v40 =	vadd.s32 s17, v0  }
0x77: {  	v41 =	vadd.s32 s16, v0;
	v30 =	vadd.s32 v49, v30;
	v28 =	vadd.s32 v29, v28;
	v29 =	vld.idx.msk [tilespmem:v53+s9+$0x0], $0xffff  }
0x78: {  	v28 =	vadd.s32 v48, v28;
	v44 =	vld.idx.msk [tilespmem:v54+s9+$0x0], $0xffff;
	[tilespmem:s14+$0xFFFFFFF0] =	vst v30  }
0x79: {  	v28 =	vadd.s32 v34, v28;
	v30 =	vld.idx.msk [tilespmem:v52+s9+$0x0], $0xffff  }
0x7a: {  	v28 =	vadd.s32 v39, v28;
	v34 =	vld.idx.msk [tilespmem:v37+s9+$0x0], $0xffff  }
0x7b: {  	v28 =	vadd.s32 v31, v28;
	v31 =	vld.idx.msk [tilespmem:v40+s9+$0x0], $0xffff  }
0x7c: {  	v28 =	vadd.s32 v32, v28;
	v37 =	vld.idx.msk [tilespmem:v41+s9+$0x0], $0xffff  }
0x7d: {  	v28 =	vadd.s32 v29, v28;
	v35 =	vld.idx.msk [tilespmem:v35+s9+$0x0], $0xffff  }
0x7e: {  	v28 =	vadd.s32 v44, v28;
	v29 =	vld.idx.msk [tilespmem:v36+s9+$0x0], $0xffff  }
0x7f: {  	v28 =	vadd.s32 v30, v28;
	v36 =	vld.idx.msk [tilespmem:v38+s9+$0x0], $0xffff  }
0x80: {  	v28 =	vadd.s32 v34, v28;
	v30 =	vld.idx.msk [tilespmem:v33+s9+$0x0], $0xffff  }
0x81: {  	v28 =	vadd.s32 v31, v28;
	v33 =	vld.idx.msk [tilespmem:v42+s9+$0x0], $0xffff  }
.Ltmp2:
0x82: {  	s14 =	sadd.s32 $0x20, s14;
	v28 =	vadd.s32 v37, v28;
	v32 =	vld.idx.msk [tilespmem:v43+s9+$0x0], $0xffff;
	(pc) =	sbr.rel @p0 .LBB2_6-.Ltmp2, $4  }
0x83: {  	v31 =	vld.idx.msk [tilespmem:v46+s9+$0x0], $0xffff;
	[tilespmem:s14+$0x0] =	vst v28  }
0x84: {  	v29 =	vadd.s32 v35, v29;
	v28 =	vld.idx.msk [tilespmem:v47+s9+$0x0], $0xffff  }
0x85: {  	v34 =	vadd.s32 v36, v29;
	v29 =	vld.idx.msk [tilespmem:v50+s9+$0x0], $0xffff  }
0x86: {  	s16 =	sadd.s32 $0x20, s16;
	v34 =	vadd.s32 v30, v34;
	v30 =	vld.idx.msk [tilespmem:v51+s9+$0x0], $0xffff  }
0x87: {  	_ =	sdelay $0x2  }
0x88: {  	v33 =	vadd.s32 v33, v34  }
0x89: {  	v27 =	vld.idx.msk [tilespmem:v27+s9+$0x0], $0xffff;
	v32 =	vadd.s32 v32, v33  }
0x8a: {  	v22 =	vld.idx.msk [tilespmem:v22+s9+$0x0], $0xffff;
	v31 =	vadd.s32 v31, v32  }
0x8b: {  	v23 =	vld.idx.msk [tilespmem:v23+s9+$0x0], $0xffff;
	v28 =	vadd.s32 v28, v31  }
0x8c: {  	v25 =	vld.idx.msk [tilespmem:v25+s9+$0x0], $0xffff;
	v28 =	vadd.s32 v29, v28  }
0x8d: {  	v26 =	vld.idx.msk [tilespmem:v26+s9+$0x0], $0xffff;
	v28 =	vadd.s32 v30, v28  }
0x8e: {  	v24 =	vld.idx.msk [tilespmem:v24+s9+$0x0], $0xffff;
	v27 =	vadd.s32 v27, v28  }
0x8f: {  	v22 =	vadd.s32 v22, v27  }
0x90: {  	v22 =	vadd.s32 v23, v22  }
0x91: {  	v22 =	vadd.s32 v25, v22  }
0x92: {  	v22 =	vadd.s32 v26, v22  }
0x93: {  	v22 =	vadd.s32 v24, v22  }
0x94: {  	[tilespmem:s14+$0xFFFFFFF0] =	vst v22  }
0x95: {  	v22 =	vld.idx.msk [tilespmem:v2+s10+$0x0], $0xffff  }
0x96: {  	v23 =	vld.idx.msk [tilespmem:v6+s10+$0x0], $0xffff  }
0x97: {  	v24 =	vld.idx.msk [tilespmem:v7+s10+$0x0], $0xffff  }
0x98: {  	v25 =	vld.idx.msk [tilespmem:v8+s10+$0x0], $0xffff  }
0x99: {  	v26 =	vld.idx.msk [tilespmem:v9+s10+$0x0], $0xffff  }
0x9a: {  	v27 =	vld.idx.msk [tilespmem:v10+s10+$0x0], $0xffff  }
0x9b: {  	v22 =	vadd.s32 v22, v23;
	v23 =	vld.idx.msk [tilespmem:v11+s10+$0x0], $0xffff  }
0x9c: {  	v22 =	vadd.s32 v24, v22;
	v24 =	vld.idx.msk [tilespmem:v12+s10+$0x0], $0xffff  }
0x9d: {  	v22 =	vadd.s32 v25, v22;
	v25 =	vld.idx.msk [tilespmem:v13+s10+$0x0], $0xffff  }
0x9e: {  	v22 =	vadd.s32 v26, v22;
	v26 =	vld.idx.msk [tilespmem:v14+s10+$0x0], $0xffff  }
0x9f: {  	v22 =	vadd.s32 v27, v22;
	v27 =	vld.idx.msk [tilespmem:v15+s10+$0x0], $0xffff  }
0xa0: {  	v22 =	vadd.s32 v23, v22;
	v23 =	vld.idx.msk [tilespmem:v16+s10+$0x0], $0xffff  }
0xa1: {  	v22 =	vadd.s32 v24, v22;
	v24 =	vld.idx.msk [tilespmem:v17+s10+$0x0], $0xffff  }
0xa2: {  	v22 =	vadd.s32 v25, v22;
	v25 =	vld.idx.msk [tilespmem:v18+s10+$0x0], $0xffff  }
0xa3: {  	v22 =	vadd.s32 v26, v22;
	v26 =	vld.idx.msk [tilespmem:v19+s10+$0x0], $0xffff  }
0xa4: {  	v22 =	vadd.s32 v27, v22;
	v27 =	vld.idx.msk [tilespmem:v20+s10+$0x0], $0xffff  }
0xa5: {  	v22 =	vadd.s32 v23, v22  }
0xa6: {  	v22 =	vadd.s32 v24, v22  }
0xa7: {  	v22 =	vadd.s32 v25, v22  }
0xa8: {  	v22 =	vadd.s32 v26, v22  }
0xa9: {  	v23 =	vadd.s32 v27, v22  }
0xaa: {  	v22 =	vperm.xlane v23, v21;
	_ =	sdelay $0x1  }
0xab: {  	(xrf0) =	vadd.scan.msk.s32 $0xffff, v22;
	_ =	sdelay $0x5  }
0xac: {  	v22, _, _ =	vpop (xrf0)  }
0xad: {  	v24 =	vperm.xlane v22, v21;
	_ =	sdelay $0x1  }
0xae: {  	vm0 =	vgt.s32 v24, $0xFF  }
0xaf: {  	v22 =	vsel vm0, $0x1, v3  }
0xb0: {  	(xrf0) =	vadd.scan.msk.s32 $0xffff, v22;
	_ =	sdelay $0x5  }
0xb1: {  	v22, _, _ =	vpop (xrf0)  }
0xb2: {  	(v2sf) =	vpush v22, $0xF;
	_ =	sdelay $0xe  }
0xb3: {  	s30 =	spop (v2sf)  }
0xb4: {  	s14 =	sadd.s32 $0xFFFFFFFF, s30  }
0xb5: {  	s16 =	sshll.u32 s14, $0x4  }
0xb6: {  	v22 =	vld [tilespmem:s16+$0x9080];
	_ =	sdelay $0x2  }
0xb7: {  	v25 =	vmov s14  }
0xb8: {  	v23 =	vsub.s32 v24, v23;
	vm0 =	veq.s32 v25, v0  }
0xb9: {  	v23 =	vnsel vm0, $0x0, v23;
	v24 =	vperm.xlane v22, v21  }
0xba: {  	(xrf0) =	vadd.scan.msk.s32 $0xffff, v23  }
0xbb: {  	(xrf0) =	vadd.scan.msk.s32 $0xffff, v24;
	_ =	sdelay $0x4  }
0xbc: {  	v23, _, _ =	vpop (xrf0)  }
0xbd: {  	v24, _, _ =	vpop (xrf0)  }
0xbe: {  	v23 =	vbroadcast v23, $0xF;
	v24 =	vperm.xlane v24, v21;
	_ =	sdelay $0x1  }
0xbf: {  	v23 =	vadd.s32 v24, v23  }
0xc0: {  	vm0 =	vgt.s32 v23, $0xFF  }
0xc1: {  	v24 =	vsel vm0, $0x1, v3  }
0xc2: {  	(xrf0) =	vadd.scan.msk.s32 $0xffff, v24;
	_ =	sdelay $0x5  }
0xc3: {  	v24, _, _ =	vpop (xrf0)  }
0xc4: {  	(v2sf) =	vpush v24, $0xF;
	_ =	sdelay $0xa  }
0xc5: {  	s17 =	simm.s32 $0x2040  }
0xc6: {  	v35 =	vld [tilespmem:s17+$0xFFFFFFC0]  }
0xc7: {  	v28 =	vld [tilespmem:s17+$0xFFFFFFF0]  }
0xc8: {  	v30 =	vld [tilespmem:s17+$0xFFFFFFD0]  }
0xc9: {  	v26 =	vld [tilespmem:s17+$0x10];
	s31 =	spop (v2sf)  }
0xca: {  	v27 =	vld [tilespmem:s17+$0x0];
	s15 =	sadd.s32 $0xFFFFFFFF, s31  }
0xcb: {  	v29 =	vshra.s32 v35, $0x18;
	v24 =	vld [tilespmem:s17+$0x20];
	s14 =	sadd.s32 s16, s15  }
0xcc: {  	v29 =	vadd.s32 $0x80, v29;
	v25 =	vld [tilespmem:s17+$0x30];
	v31 =	vmov s14  }
0xcd: {  	v37 =	vimm.s32 $0x0;
	vm7 =	veq.s32 v29, v31  }
0xce: {  	v48 =	vshra.s32 v30, $0x18;
	v38 =	vshra.s32 v28, $0x18;
	v36 =	vsel vm7, $0x1, v3  }
0xcf: {  	v49 =	vadd.s32 $0x80, v48;
	v50 =	vadd.s32 $0x80, v38;
	v46 =	vshra.s32 v26, $0x18;
	v29 =	vld [tilespmem:s17+$0xFFFFFFE0];
	(xrf0) =	vadd.scan.msk.s32 $0xffff, v36  }
0xd0: {  	v44 =	vshra.s32 v27, $0x18;
	v54 =	vadd.s32 $0x80, v46;
	v43 =	vshra.s32 v24, $0x18  }
0xd1: {  	v33 =	vadd.s32 $0x80, v44;
	v47 =	vshra.s32 v25, $0x18;
	v32 =	vadd.s32 $0x80, v43  }
0xd2: {  	vm2 =	veq.s32 v33, v31;
	vm6 =	veq.s32 v32, v31;
	v33 =	vadd.s32 $0x80, v47  }
0xd3: {  	vm3 =	veq.s32 v49, v31;
	vm0 =	veq.s32 v50, v31;
	v51 =	vsel vm2, $0x1, v3  }
0xd4: {  	vm5 =	veq.s32 v54, v31;
	v52 =	vsel vm3, $0x1, v3;
	(xrf0) =	vadd.scan.msk.s32 $0xffff, v51;
	v53 =	vshra.s32 v29, $0x18  }
0xd5: {  	v45 =	vmpcnt.ones.xlane vm7;
	v55 =	vmpcnt.ones.xlane vm3;
	(xrf0) =	vadd.scan.msk.s32 $0xffff, v52;
	v57 =	vadd.s32 $0x80, v53;
	v56, _, _ =	vpop (xrf0)  }
0xd6: {  	v59 =	vsel vm5, $0x1, v3;
	vm4 =	veq.s32 v57, v31;
	v58 =	vadd.s32 v56, v37  }
0xd7: {  	v39 =	vadd.s32 v37, v45;
	(xrf0) =	vadd.scan.msk.s32 $0xffff, v59;
	v61 =	vsel vm4, $0x1, v3;
	v37 =	vadd.s32 $0xFFFFFFFF, v58  }
0xd8: {  	vm1 =	veq.s32 v33, v31;
	v60 =	vsel vm6, $0x1, v3;
	v62 =	vmpcnt.ones.xlane vm4;
	(xrf0) =	vadd.scan.msk.s32 $0xffff, v61  }
0xd9: {  	v41 =	vmpcnt.ones.xlane vm0;
	v40 =	vsel vm1, $0x1, v3;
	v33 =	vadd.s32 v39, v55;
	(xrf0) =	vadd.scan.msk.s32 $0xffff, v60  }
0xda: {  	v42 =	vmpcnt.ones.xlane vm2;
	v43 =	vsel vm0, $0x1, v3;
	v36, _, _ =	vpop (xrf0);
	v32 =	vadd.s32 v33, v62;
	(xrf0) =	vadd.scan.msk.s32 $0xffff, v40  }
0xdb: {  	v34 =	vmpcnt.ones.xlane vm5;
	v63, _, _ =	vpop (xrf0);
	v38 =	vadd.s32 v32, v41;
	(xrf0) =	vadd.scan.msk.s32 $0xffff, v43  }
0xdc: {  	s16 =	simm.s32 $0x0;
	s17 =	simm.s32 $0x20C0;
	vm6 =	vmmov vm6;
	[tilespmem:v37+s11+$0x0] =	vst.idx.msk vm7, v35;
	v35 =	vadd.s32 v63, v39;
	v37 =	vadd.s32 v38, v42  }
.LBB2_8:
0xdd: {  	v39 =	vld [tilespmem:s17+$0xFFFFFFC0];
	s16 =	sadd.s32 $0x8, s16;
	v36 =	vadd.s32 v36, v38;
	v38, _, _ =	vpop (xrf0)  }
0xde: {  	v41 =	vmpcnt.ones.xlane vm6;
	v40 =	vld [tilespmem:s17+$0x20];
	p0 =	slt.u32 s16, $0x1F8;
	v36 =	vadd.s32 $0xFFFFFFFF, v36;
	v38 =	vadd.s32 v38, v37;
	v42, _, _ =	vpop (xrf0)  }
0xdf: {  	v34 =	vadd.s32 v37, v34;
	v43 =	vld [tilespmem:s17+$0x0];
	v33 =	vadd.s32 v42, v33;
	v38 =	vadd.s32 $0xFFFFFFFF, v38;
	v37, _, _ =	vpop (xrf0)  }
0xe0: {  	v42 =	vld [tilespmem:s17+$0x10];
	v37 =	vadd.s32 v37, v34;
	v34 =	vadd.s32 v34, v41;
	v41 =	vmpcnt.ones.xlane vm1;
	v44, _, _ =	vpop (xrf0)  }
0xe1: {  	v35 =	vadd.s32 $0xFFFFFFFF, v35;
	v45 =	vld [tilespmem:s17+$0x30];
	v37 =	vadd.s32 $0xFFFFFFFF, v37;
	v44 =	vadd.s32 v44, v34;
	v46, _, _ =	vpop (xrf0)  }
0xe2: {  	v47 =	vshra.s32 v39, $0x18;
	v48 =	vld [tilespmem:s17+$0xFFFFFFF0];
	v32 =	vadd.s32 v46, v32;
	v44 =	vadd.s32 $0xFFFFFFFF, v44  }
0xe3: {  	v33 =	vadd.s32 $0xFFFFFFFF, v33;
	v46 =	vadd.s32 $0x80, v47;
	v47 =	vld [tilespmem:s17+$0xFFFFFFD0];
	v49 =	vshra.s32 v40, $0x18;
	[tilespmem:v36+s11+$0x0] =	vst.idx.msk vm2, v27  }
0xe4: {  	vm7 =	veq.s32 v46, v31;
	v36 =	vshra.s32 v43, $0x18;
	v46 =	vadd.s32 $0x80, v49;
	[tilespmem:v38+s11+$0x0] =	vst.idx.msk vm5, v26;
	v27 =	vmovc v43  }
0xe5: {  	v32 =	vadd.s32 $0xFFFFFFFF, v32;
	v38 =	vmpcnt.ones.xlane vm7;
	v43 =	vshra.s32 v42, $0x18;
	v26 =	vmovc v42  }
0xe6: {  	v34 =	vadd.s32 v34, v41;
	v42 =	vsel vm7, $0x1, v3;
	v36 =	vadd.s32 $0x80, v36;
	v49 =	vld [tilespmem:s17+$0xFFFFFFE0];
	[tilespmem:v35+s11+$0x0] =	vst.idx.msk vm3, v30  }
0xe7: {  	vm2 =	veq.s32 v36, v31;
	v50 =	vshra.s32 v45, $0x18;
	v35 =	vadd.s32 v34, v38;
	(xrf0) =	vadd.scan.msk.s32 $0xffff, v42  }
0xe8: {  	vm8 =	veq.s32 v46, v31;
	v38 =	vshra.s32 v48, $0x18;
	v36 =	vshra.s32 v47, $0x18;
	[tilespmem:v44+s11+$0x0] =	vst.idx.msk vm1, v25;
	v25 =	vmovc v45  }
0xe9: {  	v41 =	vadd.s32 $0x80, v50;
	v38 =	vadd.s32 $0x80, v38;
	v30 =	vmovc v47;
	v36 =	vadd.s32 $0x80, v36;
	[tilespmem:v37+s11+$0x0] =	vst.idx.msk vm6, v24;
	v24 =	vmovc v40  }
0xea: {  	vm1 =	veq.s32 v41, v31;
	vm3 =	veq.s32 v36, v31;
	v36 =	vsel vm2, $0x1, v3;
	[tilespmem:v32+s11+$0x0] =	vst.idx.msk vm0, v28  }
0xeb: {  	vm0 =	veq.s32 v38, v31;
	v28 =	vmovc v48;
	v32 =	vsel vm3, $0x1, v3;
	v37 =	vshra.s32 v49, $0x18;
	[tilespmem:v33+s11+$0x0] =	vst.idx.msk vm4, v29  }
0xec: {  	v41 =	vadd.s32 $0x80, v43;
	v40 =	vsel vm1, $0x1, v3;
	v38 =	vsel vm8, $0x1, v3;
	v29 =	vmovc v49;
	(xrf0) =	vadd.scan.msk.s32 $0xffff, v36  }
0xed: {  	vm5 =	veq.s32 v41, v31;
	v36 =	vmpcnt.ones.xlane vm3;
	v37 =	vadd.s32 $0x80, v37;
	v33, _, _ =	vpop (xrf0);
	(xrf0) =	vadd.scan.msk.s32 $0xffff, v32  }
0xee: {  	vm4 =	veq.s32 v37, v31;
	v32 =	vadd.s32 v33, v34;
	v33 =	vsel vm5, $0x1, v3  }
0xef: {  	v34 =	vmpcnt.ones.xlane vm5;
	v37 =	vadd.s32 $0xFFFFFFFF, v32;
	v32 =	vsel vm4, $0x1, v3;
	(xrf0) =	vadd.scan.msk.s32 $0xffff, v33  }
.Ltmp3:
0xf0: {  	vm6 =	vmmov vm8;
	v42 =	vsel vm0, $0x1, v3;
	v41 =	vmpcnt.ones.xlane vm4;
	(xrf0) =	vadd.scan.msk.s32 $0xffff, v32;
	(pc) =	sbr.rel @p0 .LBB2_8-.Ltmp3, $4  }
0xf1: {  	v43 =	vmpcnt.ones.xlane vm0;
	v33 =	vadd.s32 v35, v36;
	(xrf0) =	vadd.scan.msk.s32 $0xffff, v38  }
0xf2: {  	v32 =	vadd.s32 v33, v41;
	v41 =	vmpcnt.ones.xlane vm2;
	v36, _, _ =	vpop (xrf0);
	(xrf0) =	vadd.scan.msk.s32 $0xffff, v40  }
0xf3: {  	v38 =	vadd.s32 v32, v43;
	v40, _, _ =	vpop (xrf0);
	(xrf0) =	vadd.scan.msk.s32 $0xffff, v42  }
0xf4: {  	s17 =	sadd.s32 $0x80, s17;
	[tilespmem:v37+s11+$0x0] =	vst.idx.msk vm7, v39;
	v35 =	vadd.s32 v40, v35;
	v37 =	vadd.s32 v38, v41  }
0xf5: {  	v31, _, _ =	vpop (xrf0);
	v36 =	vadd.s32 v36, v38;
	v35 =	vadd.s32 $0xFFFFFFFF, v35  }
0xf6: {  	v59 =	vmpcnt.ones.xlane vm6;
	v39, _, _ =	vpop (xrf0);
	v36 =	vadd.s32 $0xFFFFFFFF, v36;
	v31 =	vadd.s32 v31, v37  }
0xf7: {  	v34 =	vadd.s32 v37, v34;
	v60, _, _ =	vpop (xrf0);
	v31 =	vadd.s32 $0xFFFFFFFF, v31;
	v33 =	vadd.s32 v39, v33  }
0xf8: {  	v38 =	vadd.s32 v34, v59;
	v40, _, _ =	vpop (xrf0);
	v34 =	vadd.s32 v60, v34;
	v63 =	vadd.s32 $0xFFFFFFFF, v33  }
0xf9: {  	v38 =	vadd.s32 v40, v38;
	v61, _, _ =	vpop (xrf0);
	v34 =	vadd.s32 $0xFFFFFFFF, v34  }
0xfa: {  	v38 =	vadd.s32 $0xFFFFFFFF, v38;
	v32 =	vadd.s32 v61, v32;
	[tilespmem:v35+s11+$0x0] =	vst.idx.msk vm3, v30  }
0xfb: {  	[tilespmem:v36+s11+$0x0] =	vst.idx.msk vm2, v27;
	v62 =	vadd.s32 $0xFFFFFFFF, v32  }
0xfc: {  	[tilespmem:v31+s11+$0x0] =	vst.idx.msk vm5, v26  }
0xfd: {  	[tilespmem:v63+s11+$0x0] =	vst.idx.msk vm4, v29  }
0xfe: {  	[tilespmem:v34+s11+$0x0] =	vst.idx.msk vm6, v24  }
0xff: {  	[tilespmem:v38+s11+$0x0] =	vst.idx.msk vm1, v25  }
0x100: {  	s17 =	simm.s32 $0x8040;
	[tilespmem:v62+s11+$0x0] =	vst.idx.msk vm0, v28  }
0x101: {  	[tilespmem:s17+$0xFFFFFFC0] =	vst v3  }
0x102: {  	[tilespmem:s17+$0x30] =	vst v3  }
0x103: {  	[tilespmem:s17+$0x20] =	vst v3  }
0x104: {  	[tilespmem:s17+$0x10] =	vst v3  }
0x105: {  	[tilespmem:s17+$0x0] =	vst v3  }
0x106: {  	[tilespmem:s17+$0xFFFFFFF0] =	vst v3  }
0x107: {  	s16 =	simm.s32 $0x0;
	[tilespmem:s17+$0xFFFFFFE0] =	vst v3  }
.LBB2_10:
0x108: {  	s16 =	sadd.s32 $0x8, s16;
	[tilespmem:s17+$0xFFFFFFD0] =	vst v3;
	s17 =	sadd.s32 $0x80, s17  }
0x109: {  	[tilespmem:s17+$0xFFFFFFC0] =	vst v3;
	p0 =	slt.u32 s16, $0x100  }
0x10a: {  	[tilespmem:s17+$0x30] =	vst v3  }
.Ltmp4:
0x10b: {  	[tilespmem:s17+$0x20] =	vst v3;
	(pc) =	sbr.rel @p0 .LBB2_10-.Ltmp4, $4  }
0x10c: {  	[tilespmem:s17+$0x10] =	vst v3  }
0x10d: {  	[tilespmem:s17+$0x0] =	vst v3  }
0x10e: {  	[tilespmem:s17+$0xFFFFFFF0] =	vst v3  }
0x10f: {  	[tilespmem:s17+$0xFFFFFFE0] =	vst v3  }
0x110: {  	v24 =	vmov s15  }
0x111: {  	v23 =	vsub.s32 v23, v22;
	vm0 =	veq.s32 v24, v0  }
0x112: {  	v23 =	vnsel vm0, $0x0, v23  }
0x113: {  	v22 =	vnsel vm0, $0x0, v22;
	(xrf0) =	vadd.scan.msk.s32 $0xffff, v23  }
0x114: {  	(xrf0) =	vadd.scan.msk.s32 $0xffff, v22;
	_ =	sdelay $0x4  }
0x115: {  	v22, _, _ =	vpop (xrf0)  }
0x116: {  	(v2sf) =	vpush v22, $0xF;
	v22, _, _ =	vpop (xrf0)  }
0x117: {  	(v2sf) =	vpush v22, $0xF;
	_ =	sdelay $0xd  }
0x118: {  	s18 =	spop (v2sf)  }
0x119: {  	s30 =	spop (v2sf)  }
0x11a: {  	s15 =	sadd.s32 $0xF, s30  }
0x11b: {  	s16 =	sand.u32 $0xF, s15  }
0x11c: {  	s31 =	sshra.s32 s15, $0x1F;
	p1 =	slt.s32 s15, $0x1;
	p0 =	sne.s32 s16, $0x0  }
0x11d: {  	s16 =	sshrl.u32 s31, $0x1C;
	p0 =	por !p1, !p0  }
0x11e: {  	s15 =	sadd.s32 s16, s15;
	s16 =	simm.s32 $0x1;
	p0 =	por !p0, !p0  }
0x11f: {  	s15 =	sshra.s32 s15, $0x4;
	s16 =	simm.s32 @!p0 $0x0  }
0x120: {  	s15 =	ssub.s32 s15, s16  }
0x121: {  	s16 =	sshrl.u32 s15, $0x1E  }
0x122: {  	s16 =	sadd.s32 s16, s15  }
0x123: {  	s16 =	sand.u32 $0xFFFFFFFC, s16  }
0x124: {  	p0 =	slt.s32 s16, $0x1  }
.Ltmp5:
0x125: {  	_ = 	snop;
	(pc) =	sbr.rel @p0 .LBB2_14-.Ltmp5, $3  }
0x126: {  	_ =	sdelay $0x1  }
0x127: {  	v22 =	vbroadcast v22, $0xF  }
0x128: {  	[tilespmem:s17+$0xFFFFFFD0] =	vst v3  }
0x129: {  	p2 =	sgt.s32 s16, $0x4  }
.Ltmp6:
0x12a: {  	s19 =	simm.s32 $0x4020;
	(pc) =	sbr.rel @!p2 .LBB2_13-.Ltmp6, $4  }
0x12b: {  	v30 =	vld [tilespmem:s19+$0x10]  }
0x12c: {  	s17 =	simm.s32 $0x0;
	v24 =	vld [tilespmem:s19+$0xFFFFFFF0]  }
0x12d: {  	s20 =	simm.s32 $0x30;
	v25 =	vld [tilespmem:s19+$0x0];
	v23 =	vor.u32 s17, v0  }
0x12e: {  	s21 =	simm.s32 $0x20;
	p1 =	por $0x0, $0x0;
	v26 =	vld [tilespmem:s19+$0xFFFFFFE0];
	v31 =	vor.u32 s20, v0;
	s20 =	simm.s32 $0x4060;
	vm0 =	vlt.s32 v23, v22  }
0x12f: {  	_ =	sdelay $0x1  }
0x130: {  	v23 =	vor.u32 s21, v0;
	vm2 =	vlt.s32 v31, v22;
	v29 =	vshrl.u32 v30, $0x10  }
0x131: {  	s17 =	simm.s32 $0x10;
	p2 =	sgt.s32 s16, $0x8;
	vm1 =	vlt.s32 v23, v22;
	v24 =	vshrl.u32 v24, $0x10;
	v25 =	vshrl.u32 v25, $0x10  }
.Ltmp7:
0x132: {  	v27 =	vor.u32 s17, v0;
	v30 =	vld [tilespmem:s20+$0x10];
	v24 =	vand.u32 $0xFF, v24;
	v25 =	vand.u32 $0xFF, v25;
	(pc) =	sbr.rel @!p2 .LBB2_31-.Ltmp7, $4  }
0x133: {  	s17 =	simm.s32 $0x40;
	vm3 =	vlt.s32 v27, v22;
	v23 =	vadd.s32 v1, v24;
	v24 =	vld [tilespmem:s20+$0xFFFFFFF0];
	v27 =	vadd.s32 v1, v25  }
0x134: {  	vm4 =	vmmov vm0;
	v31 =	vor.u32 s17, v0;
	v26 =	vshrl.u32 v26, $0x10;
	v25 =	vld [tilespmem:s20+$0x0]  }
0x135: {  	s19 =	simm.s32 $0x8;
	s22 =	simm.s32 $0x70;
	v29 =	vand.u32 $0xFF, v29;
	vm0 =	vlt.s32 v31, v22;
	v26 =	vand.u32 $0xFF, v26  }
0x136: {  	s21 =	simm.s32 $0x60;
	p1 =	por $0x1, $0x1;
	v31 =	vor.u32 s22, v0;
	v29 =	vadd.s32 v1, v29;
	v28 =	vadd.s32 v1, v26;
	v26 =	vld [tilespmem:s20+$0xFFFFFFE0];
	s20 =	simm.s32 $0x40A0  }
.LBB2_30:
0x137: {  	v32 =	vld [tilespmem:s20+$0x10];
	s19 =	sadd.s32 $0x4, s19;
	v33 =	vor.u32 s21, v0;
	vm5 =	vmmov vm2;
	vm2 =	vlt.s32 v31, v22  }
0x138: {  	v24 =	vshrl.u32 v24, $0x10;
	v31 =	vshrl.u32 v30, $0x10;
	p2 =	slt.s32 s19, s16;
	[tilespmem:v27+s9+$0x0] =	vst.idx.add.s32.msk vm1, v5  }
0x139: {  	s21 =	sadd.s32 $0x10, s17;
	v27 =	vand.u32 $0xFF, v24;
	vm1 =	vlt.s32 v33, v22;
	v25 =	vshrl.u32 v25, $0x10;
	[tilespmem:v23+s9+$0x0] =	vst.idx.add.s32.msk vm3, v5  }
.Ltmp8:
0x13a: {  	v33 =	vor.u32 s21, v0;
	v23 =	vadd.s32 v1, v27;
	v24 =	vld [tilespmem:s20+$0xFFFFFFF0];
	v25 =	vand.u32 $0xFF, v25;
	(pc) =	sbr.rel @p2 .LBB2_30-.Ltmp8, $4  }
0x13b: {  	vm3 =	vlt.s32 v33, v22;
	v26 =	vshrl.u32 v26, $0x10;
	v27 =	vadd.s32 v1, v25;
	[tilespmem:v28+s9+$0x0] =	vst.idx.add.s32.msk vm4, v5  }
0x13c: {  	s17 =	sadd.s32 $0x40, s17;
	vm4 =	vmmov vm0;
	v25 =	vld [tilespmem:s20+$0x0];
	v26 =	vand.u32 $0xFF, v26;
	v30 =	vmov v32  }
0x13d: {  	s22 =	sadd.s32 $0x30, s17;
	v33 =	vand.u32 $0xFF, v31;
	v32 =	vor.u32 s17, v0;
	v28 =	vadd.s32 v1, v26;
	[tilespmem:v29+s9+$0x0] =	vst.idx.add.s32.msk vm5, v5  }
0x13e: {  	s21 =	sadd.s32 $0x20, s17;
	v31 =	vor.u32 s22, v0;
	vm0 =	vlt.s32 v32, v22;
	v29 =	vadd.s32 v1, v33;
	v26 =	vld [tilespmem:s20+$0xFFFFFFE0];
	s20 =	sadd.s32 $0x40, s20  }
.LBB2_31:
0x13f: {  	_ = 	snop  }
0x140: {  	v32 =	vor.u32 s21, v0;
	vm2 =	vmmov @p1 vm2;
	v30 =	vshrl.u32 v30, $0x10;
	s17 =	sadd.s32 $0x10, s17  }
0x141: {  	v24 =	vshrl.u32 v24, $0x10;
	vm6 =	vlt.s32 v32, v22;
	v62 =	vor.u32 s17, v0  }
0x142: {  	v24 =	vand.u32 $0xFF, v24;
	v25 =	vshrl.u32 v25, $0x10;
	vm7 =	vlt.s32 v62, v22  }
0x143: {  	v25 =	vand.u32 $0xFF, v25;
	v24 =	vadd.s32 v1, v24;
	v26 =	vshrl.u32 v26, $0x10  }
0x144: {  	[tilespmem:v27+s9+$0x0] =	vst.idx.add.s32.msk @p1 vm1, v5;
	vm0 =	vmmov vm0;
	v25 =	vadd.s32 v1, v25;
	v26 =	vand.u32 $0xFF, v26  }
0x145: {  	vm5 =	vlt.s32 v31, v22;
	[tilespmem:v23+s9+$0x0] =	vst.idx.add.s32.msk @p1 vm3, v5;
	v63 =	vand.u32 $0xFF, v30;
	v23 =	vadd.s32 v1, v26  }
0x146: {  	[tilespmem:v28+s9+$0x0] =	vst.idx.add.s32.msk @p1 vm4, v5;
	v26 =	vadd.s32 v1, v63  }
0x147: {  	[tilespmem:v29+s9+$0x0] =	vst.idx.add.s32.msk @p1 vm2, v5  }
0x148: {  	[tilespmem:v24+s9+$0x0] =	vst.idx.add.s32.msk vm7, v5  }
0x149: {  	[tilespmem:v25+s9+$0x0] =	vst.idx.add.s32.msk vm6, v5  }
0x14a: {  	[tilespmem:v23+s9+$0x0] =	vst.idx.add.s32.msk vm0, v5  }
0x14b: {  	vm15 =	vmmov vm5;
	[tilespmem:v26+s9+$0x0] =	vst.idx.add.s32.msk vm5, v5  }
.LBB2_14:
0x14c: {  	s20 =	ssub.s32 s15, s16  }
0x14d: {  	p1 =	sgt.s32 s20, $0x0  }
.Ltmp9:
0x14e: {  	_ = 	snop;
	(pc) =	sbr.rel @!p1 .LBB2_15-.Ltmp9, $3  }
0x14f: {  	_ =	sdelay $0x1  }
0x150: {  	s17 =	sshll.u32 s16, $0x6  }
0x151: {  	s19 =	sshra.s32 s17, $0x2;
	s17 =	sshll.u32 s16, $0x4  }
0x152: {  	s21 =	sadd.s32 $0x4000, s19;
	s22 =	sshll.u32 s16, $0x4;
	s23 =	smov.u32 s16  }
.LBB2_33:
0x153: {  	v23 =	vld [tilespmem:s21+$0x0];
	_ =	sdelay $0x4  }
0x154: {  	v24 =	vor.u32 s22, v0;
	v23 =	vshrl.u32 v23, $0x10  }
0x155: {  	s23 =	sadd.s32 $0x1, s23;
	vm0 =	vlt.s32 v24, v22;
	v23 =	vand.u32 $0xFF, v23  }
0x156: {  	p1 =	slt.s32 s23, s15;
	v23 =	vadd.s32 v1, v23  }
.Ltmp10:
0x157: {  	_ = 	snop;
	(pc) =	sbr.rel @p1 .LBB2_33-.Ltmp10, $2  }
0x158: {  	_ =	sdelay $0x2  }
0x159: {  	s21 =	sadd.s32 $0x10, s21;
	s22 =	sadd.s32 $0x10, s22;
	[tilespmem:v23+s9+$0x0] =	vst.idx.add.s32.msk vm0, v5  }
.LBB2_15:
0x15a: {  	s23 =	simm.s32 $0x10  }
0x15b: {  	s25 =	simm.s32 $0x111;
	v23 =	vor.u32 s23, v0  }
0x15c: {  	s26 =	simm.s32 $0x212;
	v24 =	vadd.s32 s25, v0  }
0x15d: {  	s28 =	simm.s32 $0x313;
	v25 =	vadd.s32 s26, v0  }
0x15e: {  	s29 =	simm.s32 $0x414;
	v26 =	vadd.s32 s28, v0  }
0x15f: {  	s30 =	simm.s32 $0x515;
	v27 =	vadd.s32 s29, v0  }
0x160: {  	s31 =	simm.s32 $0x616;
	v28 =	vadd.s32 s30, v0;
	v23 =	vld.idx.msk [tilespmem:v23+s9+$0x0], $0xffff  }
0x161: {  	s24 =	simm.s32 $0x717;
	v29 =	vadd.s32 s31, v0;
	v24 =	vld.idx.msk [tilespmem:v24+s9+$0x0], $0xffff  }
0x162: {  	s22 =	simm.s32 $0xF1F;
	v30 =	vadd.s32 s24, v0;
	v25 =	vld.idx.msk [tilespmem:v25+s9+$0x0], $0xffff  }
0x163: {  	s25 =	simm.s32 $0x818;
	v59 =	vadd.s32 s22, v0;
	v26 =	vld.idx.msk [tilespmem:v26+s9+$0x0], $0xffff  }
0x164: {  	s26 =	simm.s32 $0x919;
	v31 =	vadd.s32 s25, v0;
	v27 =	vld.idx.msk [tilespmem:v27+s9+$0x0], $0xffff  }
0x165: {  	s24 =	simm.s32 $0xE1E;
	v32 =	vadd.s32 s26, v0;
	v28 =	vld.idx.msk [tilespmem:v28+s9+$0x0], $0xffff  }
0x166: {  	s28 =	simm.s32 $0xA1A;
	v37 =	vadd.s32 s24, v0;
	v29 =	vld.idx.msk [tilespmem:v29+s9+$0x0], $0xffff  }
0x167: {  	s29 =	simm.s32 $0xB1B;
	v33 =	vadd.s32 s28, v0;
	v30 =	vld.idx.msk [tilespmem:v30+s9+$0x0], $0xffff  }
0x168: {  	s30 =	simm.s32 $0xC1C;
	v34 =	vadd.s32 s29, v0;
	v39 =	vld.idx.msk [tilespmem:v59+s9+$0x0], $0xffff  }
0x169: {  	v35 =	vadd.s32 s30, v0;
	s28 =	simm.s32 $0x202;
	v31 =	vld.idx.msk [tilespmem:v31+s9+$0x0], $0xffff  }
0x16a: {  	s31 =	simm.s32 $0xD1D;
	v61 =	vadd.s32 s28, v0;
	v32 =	vld.idx.msk [tilespmem:v32+s9+$0x0], $0xffff;
	v23 =	vadd.s32 v23, v24  }
0x16b: {  	v36 =	vadd.s32 s31, v0;
	s25 =	simm.s32 $0x0;
	v37 =	vld.idx.msk [tilespmem:v37+s9+$0x0], $0xffff;
	v23 =	vadd.s32 v25, v23  }
0x16c: {  	s26 =	simm.s32 $0x101;
	v38 =	vor.u32 s25, v0;
	v24 =	vld.idx.msk [tilespmem:v33+s9+$0x0], $0xffff;
	v23 =	vadd.s32 v26, v23  }
0x16d: {  	s29 =	simm.s32 $0x303;
	v60 =	vadd.s32 s26, v0;
	v25 =	vld.idx.msk [tilespmem:v34+s9+$0x0], $0xffff;
	v23 =	vadd.s32 v27, v23  }
0x16e: {  	s23 =	simm.s32 $0x606;
	v62 =	vadd.s32 s29, v0;
	v26 =	vld.idx.msk [tilespmem:v35+s9+$0x0], $0xffff;
	v23 =	vadd.s32 v28, v23  }
0x16f: {  	s30 =	simm.s32 $0x404;
	v63 =	vadd.s32 s23, v0;
	v35 =	vld.idx.msk [tilespmem:v61+s9+$0x0], $0xffff;
	v23 =	vadd.s32 v29, v23  }
0x170: {  	s31 =	simm.s32 $0x505;
	v27 =	vld.idx.msk [tilespmem:v36+s9+$0x0], $0xffff;
	v28 =	vadd.s32 s30, v0;
	v23 =	vadd.s32 v30, v23  }
0x171: {  	s24 =	simm.s32 $0x707;
	v29 =	vadd.s32 s31, v0;
	v30 =	vld.idx.msk [tilespmem:v38+s9+$0x0], $0xffff;
	v23 =	vadd.s32 v31, v23  }
0x172: {  	v40 =	vadd.s32 s24, v0;
	s25 =	simm.s32 $0x808;
	v31 =	vld.idx.msk [tilespmem:v60+s9+$0x0], $0xffff;
	v23 =	vadd.s32 v32, v23  }
0x173: {  	s26 =	simm.s32 $0x909;
	v41 =	vadd.s32 s25, v0;
	v36 =	vld.idx.msk [tilespmem:v62+s9+$0x0], $0xffff;
	v23 =	vadd.s32 v24, v23  }
0x174: {  	s28 =	simm.s32 $0xA0A;
	v42 =	vadd.s32 s26, v0;
	v32 =	vld.idx.msk [tilespmem:v63+s9+$0x0], $0xffff;
	v23 =	vadd.s32 v25, v23  }
0x175: {  	s29 =	simm.s32 $0xB0B;
	v34 =	vld.idx.msk [tilespmem:v28+s9+$0x0], $0xffff;
	v28 =	vadd.s32 s28, v0;
	v24 =	vadd.s32 v26, v23  }
0x176: {  	s30 =	simm.s32 $0xC0C;
	v33 =	vld.idx.msk [tilespmem:v29+s9+$0x0], $0xffff;
	v23 =	vadd.s32 s29, v0;
	v25 =	vadd.s32 v27, v24  }
0x177: {  	s31 =	simm.s32 $0xD0D;
	v29 =	vld.idx.msk [tilespmem:v40+s9+$0x0], $0xffff;
	v24 =	vadd.s32 s30, v0;
	v27 =	vadd.s32 v30, v31;
	v25 =	vadd.s32 v37, v25  }
0x178: {  	s21 =	simm.s32 $0x9090;
	s24 =	simm.s32 $0xE0E;
	s25 =	simm.s32 $0xF0F;
	v26 =	vadd.s32 s31, v0;
	v30 =	vld.idx.msk [tilespmem:v41+s9+$0x0], $0xffff;
	v35 =	vadd.s32 v35, v27;
	v31 =	vadd.s32 v39, v25  }
0x179: {  	s18 =	ssub.s32 $0x100, s18;
	s22 =	simm.s32 $0x0;
	s23 =	simm.s32 $0xF3F;
	v27 =	vadd.s32 s24, v0;
	v25 =	vadd.s32 s25, v0;
	v35 =	vadd.s32 v36, v35;
	[tilespmem:s21+$0x0] =	vst v31;
	v31 =	vld.idx.msk [tilespmem:v42+s9+$0x0], $0xffff  }
.LBB2_16:
0x17a: {  	s24 =	sadd.s32 $0xFFFFF0E1, s23;
	s25 =	sadd.s32 $0xFFFFF1E2, s23;
	s26 =	sadd.s32 $0xFFFFF0F1, s23;
	v34 =	vadd.s32 v34, v35;
	v35 =	vld.idx.msk [tilespmem:v28+s9+$0x0], $0xffff  }
0x17b: {  	s22 =	sadd.s32 $0x2, s22;
	v36 =	vor.u32 s24, v0;
	v37 =	vadd.s32 s25, v0;
	s24 =	sadd.s32 $0xFFFFF2E3, s23;
	v28 =	vor.u32 s26, v0;
	s25 =	sadd.s32 $0xFFFFF1F2, s23;
	v38 =	vld.idx.msk [tilespmem:v23+s9+$0x0], $0xffff  }
0x17c: {  	p1 =	slt.u32 s22, $0xE;
	v23 =	vadd.s32 v33, v34;
	v39 =	vadd.s32 s24, v0;
	s24 =	sadd.s32 $0xFFFFF3E4, s23;
	v40 =	vadd.s32 s25, v0;
	s25 =	sadd.s32 $0xFFFFF2F3, s23;
	v33 =	vld.idx.msk [tilespmem:v24+s9+$0x0], $0xffff  }
0x17d: {  	s26 =	sadd.s32 $0xFFFFF5E6, s23;
	v32 =	vadd.s32 v32, v23;
	v34 =	vadd.s32 s24, v0;
	s24 =	sadd.s32 $0xFFFFF4E5, s23;
	v41 =	vadd.s32 s25, v0;
	s25 =	sadd.s32 $0xFFFFF3F4, s23;
	v42 =	vld.idx.msk [tilespmem:v26+s9+$0x0], $0xffff  }
0x17e: {  	v44 =	vadd.s32 s26, v0;
	s26 =	sadd.s32 $0xFFFFF7E8, s23;
	v43 =	vadd.s32 s24, v0;
	s24 =	sadd.s32 $0xFFFFF6E7, s23;
	v45 =	vadd.s32 s25, v0;
	s25 =	sadd.s32 $0xFFFFF4F5, s23;
	v46 =	vld.idx.msk [tilespmem:v27+s9+$0x0], $0xffff  }
0x17f: {  	v48 =	vadd.s32 s26, v0;
	s26 =	sadd.s32 $0xFFFFF9EA, s23;
	v47 =	vadd.s32 s24, v0;
	s24 =	sadd.s32 $0xFFFFF8E9, s23;
	v49 =	vadd.s32 s25, v0;
	s25 =	sadd.s32 $0xFFFFF5F6, s23;
	v50 =	vld.idx.msk [tilespmem:v25+s9+$0x0], $0xffff  }
0x180: {  	v52 =	vadd.s32 s26, v0;
	s26 =	sadd.s32 $0xFFFFFBEC, s23;
	v51 =	vadd.s32 s24, v0;
	s24 =	sadd.s32 $0xFFFFFAEB, s23;
	v53 =	vld.idx.msk [tilespmem:v28+s9+$0x0], $0xffff;
	v54 =	vadd.s32 s25, v0;
	s25 =	sadd.s32 $0xFFFFF6F7, s23  }
0x181: {  	v23 =	vadd.s32 s26, v0;
	s26 =	sadd.s32 $0xFFFFFDEE, s23;
	v28 =	vadd.s32 s24, v0;
	s24 =	sadd.s32 $0xFFFFFCED, s23;
	v40 =	vld.idx.msk [tilespmem:v40+s9+$0x0], $0xffff;
	v55 =	vadd.s32 s25, v0;
	s25 =	sadd.s32 $0xFFFFF7F8, s23  }
0x182: {  	s28 =	sadd.s32 $0xFFFFFFF0, s23;
	v25 =	vadd.s32 v29, v32;
	v24 =	vadd.s32 s24, v0;
	s24 =	sadd.s32 $0xFFFFFEEF, s23;
	v41 =	vld.idx.msk [tilespmem:v41+s9+$0x0], $0xffff;
	v56 =	vadd.s32 s25, v0;
	s25 =	sadd.s32 $0xFFFFF8F9, s23  }
0x183: {  	v26 =	vadd.s32 s26, v0;
	v25 =	vadd.s32 v30, v25;
	v29 =	vld.idx.msk [tilespmem:v45+s9+$0x0], $0xffff;
	v32 =	vadd.s32 s25, v0;
	s25 =	sadd.s32 $0xFFFFF9FA, s23  }
0x184: {  	v31 =	vadd.s32 v31, v25;
	v27 =	vadd.s32 s24, v0;
	s24 =	sadd.s32 $0xFFFFFAFB, s23;
	v30 =	vld.idx.msk [tilespmem:v49+s9+$0x0], $0xffff;
	v45 =	vadd.s32 s25, v0  }
0x185: {  	v25 =	vadd.s32 s28, v0;
	v31 =	vadd.s32 v35, v31;
	v49 =	vld.idx.msk [tilespmem:v54+s9+$0x0], $0xffff;
	v54 =	vadd.s32 s24, v0;
	s24 =	sadd.s32 $0xFFFFFBFC, s23  }
0x186: {  	v31 =	vadd.s32 v38, v31;
	v35 =	vld.idx.msk [tilespmem:v55+s9+$0x0], $0xffff;
	v55 =	vadd.s32 s24, v0;
	s24 =	sadd.s32 $0xFFFFFCFD, s23  }
0x187: {  	v31 =	vadd.s32 v33, v31;
	v38 =	vadd.s32 v53, v40;
	v40 =	vld.idx.msk [tilespmem:v56+s9+$0x0], $0xffff;
	v53 =	vadd.s32 s24, v0;
	s24 =	sadd.s32 $0xFFFFFDFE, s23  }
0x188: {  	v31 =	vadd.s32 v42, v31;
	v33 =	vadd.s32 v41, v38;
	v32 =	vld.idx.msk [tilespmem:v32+s9+$0x0], $0xffff;
	v38 =	vadd.s32 s24, v0;
	s24 =	sadd.s32 $0xFFFFFEFF, s23  }
0x189: {  	v31 =	vadd.s32 v46, v31;
	v29 =	vadd.s32 v29, v33;
	v33 =	vld.idx.msk [tilespmem:v45+s9+$0x0], $0xffff;
	v41 =	vadd.s32 s24, v0  }
0x18a: {  	v42 =	vadd.s32 s23, v0;
	v31 =	vadd.s32 v50, v31;
	v29 =	vadd.s32 v30, v29;
	v30 =	vld.idx.msk [tilespmem:v54+s9+$0x0], $0xffff  }
0x18b: {  	v29 =	vadd.s32 v49, v29;
	v45 =	vld.idx.msk [tilespmem:v55+s9+$0x0], $0xffff;
	[tilespmem:s21+$0xFFFFFFF0] =	vst v31  }
0x18c: {  	v29 =	vadd.s32 v35, v29;
	v31 =	vld.idx.msk [tilespmem:v53+s9+$0x0], $0xffff  }
0x18d: {  	v29 =	vadd.s32 v40, v29;
	v35 =	vld.idx.msk [tilespmem:v38+s9+$0x0], $0xffff  }
0x18e: {  	v29 =	vadd.s32 v32, v29;
	v32 =	vld.idx.msk [tilespmem:v41+s9+$0x0], $0xffff  }
0x18f: {  	v29 =	vadd.s32 v33, v29;
	v38 =	vld.idx.msk [tilespmem:v42+s9+$0x0], $0xffff  }
0x190: {  	v29 =	vadd.s32 v30, v29;
	v36 =	vld.idx.msk [tilespmem:v36+s9+$0x0], $0xffff  }
0x191: {  	v29 =	vadd.s32 v45, v29;
	v30 =	vld.idx.msk [tilespmem:v37+s9+$0x0], $0xffff  }
0x192: {  	v29 =	vadd.s32 v31, v29;
	v37 =	vld.idx.msk [tilespmem:v39+s9+$0x0], $0xffff  }
0x193: {  	v29 =	vadd.s32 v35, v29;
	v31 =	vld.idx.msk [tilespmem:v34+s9+$0x0], $0xffff  }
0x194: {  	v29 =	vadd.s32 v32, v29;
	v34 =	vld.idx.msk [tilespmem:v43+s9+$0x0], $0xffff  }
.Ltmp11:
0x195: {  	s21 =	sadd.s32 $0x20, s21;
	v29 =	vadd.s32 v38, v29;
	v33 =	vld.idx.msk [tilespmem:v44+s9+$0x0], $0xffff;
	(pc) =	sbr.rel @p1 .LBB2_16-.Ltmp11, $4  }
0x196: {  	v32 =	vld.idx.msk [tilespmem:v47+s9+$0x0], $0xffff;
	[tilespmem:s21+$0x0] =	vst v29  }
0x197: {  	v30 =	vadd.s32 v36, v30;
	v29 =	vld.idx.msk [tilespmem:v48+s9+$0x0], $0xffff  }
0x198: {  	v35 =	vadd.s32 v37, v30;
	v30 =	vld.idx.msk [tilespmem:v51+s9+$0x0], $0xffff  }
0x199: {  	s23 =	sadd.s32 $0x20, s23;
	v35 =	vadd.s32 v31, v35;
	v31 =	vld.idx.msk [tilespmem:v52+s9+$0x0], $0xffff  }
0x19a: {  	_ =	sdelay $0x2  }
0x19b: {  	v34 =	vadd.s32 v34, v35  }
0x19c: {  	v28 =	vld.idx.msk [tilespmem:v28+s9+$0x0], $0xffff;
	v33 =	vadd.s32 v33, v34  }
0x19d: {  	v23 =	vld.idx.msk [tilespmem:v23+s9+$0x0], $0xffff;
	v32 =	vadd.s32 v32, v33  }
0x19e: {  	v24 =	vld.idx.msk [tilespmem:v24+s9+$0x0], $0xffff;
	v29 =	vadd.s32 v29, v32  }
0x19f: {  	v26 =	vld.idx.msk [tilespmem:v26+s9+$0x0], $0xffff;
	v29 =	vadd.s32 v30, v29  }
0x1a0: {  	v27 =	vld.idx.msk [tilespmem:v27+s9+$0x0], $0xffff;
	v29 =	vadd.s32 v31, v29  }
0x1a1: {  	v25 =	vld.idx.msk [tilespmem:v25+s9+$0x0], $0xffff;
	v28 =	vadd.s32 v28, v29  }
0x1a2: {  	v23 =	vadd.s32 v23, v28  }
0x1a3: {  	v23 =	vadd.s32 v24, v23  }
0x1a4: {  	v23 =	vadd.s32 v26, v23  }
0x1a5: {  	v23 =	vadd.s32 v27, v23  }
0x1a6: {  	v23 =	vadd.s32 v25, v23  }
0x1a7: {  	[tilespmem:s21+$0xFFFFFFF0] =	vst v23  }
0x1a8: {  	v23 =	vld.idx.msk [tilespmem:v2+s10+$0x0], $0xffff  }
0x1a9: {  	v24 =	vld.idx.msk [tilespmem:v6+s10+$0x0], $0xffff  }
0x1aa: {  	v25 =	vld.idx.msk [tilespmem:v7+s10+$0x0], $0xffff  }
0x1ab: {  	v26 =	vld.idx.msk [tilespmem:v8+s10+$0x0], $0xffff  }
0x1ac: {  	v27 =	vld.idx.msk [tilespmem:v9+s10+$0x0], $0xffff  }
0x1ad: {  	v61 =	vld.idx.msk [tilespmem:v10+s10+$0x0], $0xffff  }
0x1ae: {  	v23 =	vadd.s32 v23, v24;
	v24 =	vld.idx.msk [tilespmem:v11+s10+$0x0], $0xffff  }
0x1af: {  	v23 =	vadd.s32 v25, v23;
	v25 =	vld.idx.msk [tilespmem:v12+s10+$0x0], $0xffff  }
0x1b0: {  	v23 =	vadd.s32 v26, v23;
	v26 =	vld.idx.msk [tilespmem:v13+s10+$0x0], $0xffff  }
0x1b1: {  	v23 =	vadd.s32 v27, v23;
	v27 =	vld.idx.msk [tilespmem:v14+s10+$0x0], $0xffff  }
0x1b2: {  	v62 =	vld.idx.msk [tilespmem:v15+s10+$0x0], $0xffff;
	v23 =	vadd.s32 v61, v23  }
0x1b3: {  	v23 =	vadd.s32 v24, v23;
	v24 =	vld.idx.msk [tilespmem:v16+s10+$0x0], $0xffff  }
0x1b4: {  	v23 =	vadd.s32 v25, v23;
	v25 =	vld.idx.msk [tilespmem:v17+s10+$0x0], $0xffff  }
0x1b5: {  	v23 =	vadd.s32 v26, v23;
	v26 =	vld.idx.msk [tilespmem:v18+s10+$0x0], $0xffff  }
0x1b6: {  	v23 =	vadd.s32 v27, v23;
	v27 =	vld.idx.msk [tilespmem:v19+s10+$0x0], $0xffff  }
0x1b7: {  	v63 =	vld.idx.msk [tilespmem:v20+s10+$0x0], $0xffff;
	v23 =	vadd.s32 v62, v23  }
0x1b8: {  	v23 =	vadd.s32 v24, v23  }
0x1b9: {  	v23 =	vadd.s32 v25, v23  }
0x1ba: {  	v23 =	vadd.s32 v26, v23  }
0x1bb: {  	v23 =	vadd.s32 v27, v23  }
0x1bc: {  	v23 =	vadd.s32 v63, v23  }
0x1bd: {  	v24 =	vperm.xlane v23, v21;
	_ =	sdelay $0x1  }
0x1be: {  	(xrf0) =	vadd.scan.msk.s32 $0xffff, v24;
	_ =	sdelay $0x5  }
0x1bf: {  	v24, _, _ =	vpop (xrf0)  }
0x1c0: {  	v24 =	vperm.xlane v24, v21;
	_ =	sdelay $0x1  }
0x1c1: {  	vm0 =	vge.s32 v24, s18  }
0x1c2: {  	v25 =	vsel vm0, $0x1, v3  }
0x1c3: {  	(xrf0) =	vadd.scan.msk.s32 $0xffff, v25;
	_ =	sdelay $0x5  }
0x1c4: {  	v25, _, _ =	vpop (xrf0)  }
0x1c5: {  	(v2sf) =	vpush v25, $0xF;
	_ =	sdelay $0xe  }
0x1c6: {  	s30 =	spop (v2sf)  }
0x1c7: {  	s21 =	sadd.s32 $0xFFFFFFFF, s30  }
0x1c8: {  	s22 =	sshll.u32 s21, $0x4  }
0x1c9: {  	v25 =	vld [tilespmem:s22+$0x9080];
	_ =	sdelay $0x2  }
0x1ca: {  	v26 =	vmov s21  }
0x1cb: {  	v23 =	vsub.s32 v24, v23;
	vm13 =	veq.s32 v26, v0  }
0x1cc: {  	v23 =	vnsel vm13, $0x0, v23;
	v24 =	vperm.xlane v25, v21  }
0x1cd: {  	(xrf0) =	vadd.scan.msk.s32 $0xffff, v23  }
0x1ce: {  	(xrf0) =	vadd.scan.msk.s32 $0xffff, v24;
	_ =	sdelay $0x4  }
0x1cf: {  	v23, _, _ =	vpop (xrf0)  }
0x1d0: {  	v24, _, _ =	vpop (xrf0)  }
0x1d1: {  	v23 =	vbroadcast v23, $0xF;
	v24 =	vperm.xlane v24, v21;
	_ =	sdelay $0x1  }
0x1d2: {  	v23 =	vadd.s32 v24, v23  }
0x1d3: {  	vm14 =	vge.s32 v23, s18  }
0x1d4: {  	v24 =	vsel vm14, $0x1, v3  }
0x1d5: {  	(xrf0) =	vadd.scan.msk.s32 $0xffff, v24;
	_ =	sdelay $0x5  }
0x1d6: {  	v24, _, _ =	vpop (xrf0)  }
0x1d7: {  	(v2sf) =	vpush v24, $0xF;
	_ =	sdelay $0xe  }
0x1d8: {  	s31 =	spop (v2sf)  }
0x1d9: {  	s23 =	sadd.s32 $0xFFFFFFFF, s31  }
0x1da: {  	v24 =	vmov s23  }
0x1db: {  	v23 =	vsub.s32 v23, v25;
	vm15 =	veq.s32 v24, v0  }
0x1dc: {  	v23 =	vnsel vm15, $0x0, v23  }
0x1dd: {  	(xrf0) =	vadd.scan.msk.s32 $0xffff, v23;
	v23 =	vnsel vm15, $0x0, v25  }
0x1de: {  	(xrf0) =	vadd.scan.msk.s32 $0xffff, v23;
	_ =	sdelay $0x4  }
0x1df: {  	v23, _, _ =	vpop (xrf0)  }
0x1e0: {  	(v2sf) =	vpush v23, $0xF;
	v23, _, _ =	vpop (xrf0)  }
0x1e1: {  	(v2sf) =	vpush v23, $0xF;
	_ =	sdelay $0xa  }
.Ltmp12:
0x1e2: {  	_ = 	snop;
	(pc) =	sbr.rel @p0 .LBB2_18-.Ltmp12, $3  }
0x1e3: {  	_ =	sdelay $0x1  }
0x1e4: {  	s22 =	sadd.s32 s22, s23;
	s21 =	spop (v2sf)  }
0x1e5: {  	v24 =	vmov s22;
	s23 =	spop (v2sf)  }
0x1e6: {  	s24 =	simm.s32 $0x4020  }
0x1e7: {  	v25 =	vld [tilespmem:s24+$0xFFFFFFE0];
	_ =	sdelay $0x4  }
0x1e8: {  	s25 =	simm.s32 $0x0;
	v26 =	vshrl.u32 v25, $0x10  }
0x1e9: {  	v27 =	vor.u32 s25, v0;
	v26 =	vand.u32 $0xFF, v26  }
0x1ea: {  	vm0 =	vlt.s32 v27, v22;
	vm1 =	veq.s32 v26, v24;
	v26 =	vld [tilespmem:s24+$0x10]  }
0x1eb: {  	vm6 =	vmand vm0, vm1  }
0x1ec: {  	v28 =	vsel vm6, $0x1, v3  }
0x1ed: {  	v27 =	vld [tilespmem:s24+$0x0];
	(xrf0) =	vadd.scan.msk.s32 $0xffff, v28  }
0x1ee: {  	p1 =	sgt.s32 s16, $0x4;
	v28 =	vld [tilespmem:s24+$0xFFFFFFF0]  }
.Ltmp13:
0x1ef: {  	v30 =	vshrl.u32 v26, $0x10;
	(pc) =	sbr.rel @!p1 .LBB2_35-.Ltmp13, $3  }
0x1f0: {  	v30 =	vand.u32 $0xFF, v30;
	_ =	sdelay $0x1  }
0x1f1: {  	v29 =	vimm.s32 $0x0;
	s29 =	simm.s32 $0x10;
	s30 =	simm.s32 $0x20;
	v31 =	vshrl.u32 v27, $0x10  }
0x1f2: {  	s28 =	simm.s32 $0x30;
	p0 =	por $0x0, $0x0;
	s25 =	simm.s32 $0x4060;
	v39 =	vand.u32 $0xFF, v31;
	vm5 =	veq.s32 v30, v24;
	v40 =	vshrl.u32 v28, $0x10;
	v30, _, _ =	vpop (xrf0)  }
0x1f3: {  	v31 =	vld [tilespmem:s25+$0xFFFFFFE0]  }
0x1f4: {  	v32 =	vor.u32 s29, v0;
	v33 =	vand.u32 $0xFF, v40;
	v34 =	vor.u32 s30, v0  }
0x1f5: {  	vm2 =	veq.s32 v39, v24;
	v49 =	vor.u32 s28, v0;
	v55 =	vmpcnt.ones.xlane vm6  }
0x1f6: {  	s24 =	simm.s32 $0x40;
	vm0 =	veq.s32 v33, v24;
	vm1 =	vlt.s32 v34, v22;
	vm3 =	vlt.s32 v32, v22  }
0x1f7: {  	v54 =	vor.u32 s24, v0;
	vm2 =	vmand vm1, vm2;
	vm1 =	vmand vm3, vm0  }
0x1f8: {  	v35 =	vld [tilespmem:s25+$0x10];
	vm0 =	vlt.s32 v49, v22;
	v50 =	vsel vm2, $0x1, v3;
	v52 =	vshrl.u32 v31, $0x10  }
0x1f9: {  	v38 =	vld [tilespmem:s25+$0x0];
	v51 =	vsel vm1, $0x1, v3;
	vm0 =	vmand vm0, vm5;
	(xrf0) =	vadd.scan.msk.s32 $0xffff, v50;
	v33 =	vand.u32 $0xFF, v52  }
0x1fa: {  	v37 =	vld [tilespmem:s25+$0xFFFFFFF0];
	vm3 =	vlt.s32 v54, v22;
	v53 =	vsel vm0, $0x1, v3;
	(xrf0) =	vadd.scan.msk.s32 $0xffff, v51;
	vm4 =	veq.s32 v33, v24  }
0x1fb: {  	v32 =	vadd.s32 v29, v55;
	(xrf0) =	vadd.scan.msk.s32 $0xffff, v53;
	vm4 =	vmand vm3, vm4  }
0x1fc: {  	vm1 =	vmmov vm1;
	vm2 =	vmmov vm2;
	v56 =	vsel vm4, $0x1, v3  }
0x1fd: {  	v29 =	vadd.s32 v30, v29;
	v57 =	vmpcnt.ones.xlane vm1;
	v58 =	vmpcnt.ones.xlane vm2;
	(xrf0) =	vadd.scan.msk.s32 $0xffff, v56  }
0x1fe: {  	p1 =	sgt.s32 s16, $0x8;
	v59 =	vmpcnt.ones.xlane vm0;
	v63 =	vshrl.u32 v35, $0x10;
	v41 =	vshrl.u32 v38, $0x10  }
.Ltmp14:
0x1ff: {  	v40 =	vshrl.u32 v37, $0x10;
	v30 =	vadd.s32 v32, v57;
	v42 =	vand.u32 $0xFF, v63;
	v36, _, _ =	vpop (xrf0);
	(pc) =	sbr.rel @!p1 .LBB2_37-.Ltmp14, $4  }
0x200: {  	vm3 =	vmmov vm6;
	v60, _, _ =	vpop (xrf0);
	v61 =	vadd.s32 v36, v30;
	v30 =	vadd.s32 v30, v58  }
0x201: {  	v39 =	vand.u32 $0xFF, v41;
	v33 =	vadd.s32 $0xFFFFFFFF, v29;
	vm5 =	veq.s32 v42, v24;
	v62, _, _ =	vpop (xrf0)  }
0x202: {  	s25 =	simm.s32 $0x8;
	s26 =	simm.s32 $0x40A0;
	s29 =	simm.s32 $0x50;
	v32 =	vadd.s32 v60, v32;
	v36 =	vadd.s32 $0xFFFFFFFF, v61;
	v29 =	vadd.s32 v62, v30  }
0x203: {  	s30 =	simm.s32 $0x60;
	s28 =	simm.s32 $0x70;
	p0 =	por $0x1, $0x1;
	v32 =	vadd.s32 $0xFFFFFFFF, v32;
	v34 =	vadd.s32 $0xFFFFFFFF, v29;
	v29 =	vadd.s32 v30, v59;
	v30, _, _ =	vpop (xrf0)  }
.LBB2_38:
0x204: {  	v41 =	vld [tilespmem:s26+$0xFFFFFFE0];
	s25 =	sadd.s32 $0x4, s25;
	v42 =	vor.u32 s29, v0;
	v40 =	vand.u32 $0xFF, v40;
	v43 =	vor.u32 s30, v0  }
0x205: {  	vm8 =	veq.s32 v39, v24;
	p1 =	slt.s32 s25, s16;
	vm6 =	veq.s32 v40, v24;
	vm7 =	vlt.s32 v43, v22  }
0x206: {  	v39 =	vor.u32 s28, v0;
	vm9 =	vlt.s32 v42, v22;
	vm7 =	vmand vm7, vm8;
	[tilespmem:v33+s12+$0x0] =	vst.idx.msk vm3, v25;
	v25 =	vmovc v31  }
0x207: {  	vm3 =	vmand vm9, vm6;
	vm6 =	vlt.s32 v39, v22;
	v40 =	vsel vm7, $0x1, v3;
	[tilespmem:v36+s12+$0x0] =	vst.idx.msk vm2, v27;
	v27 =	vmovc v38  }
0x208: {  	v33 =	vsel vm3, $0x1, v3;
	(xrf0) =	vadd.scan.msk.s32 $0xffff, v40;
	[tilespmem:v34+s12+$0x0] =	vst.idx.msk vm0, v26;
	vm0 =	vmand vm6, vm5;
	v26 =	vmovc v35  }
0x209: {  	s24 =	sadd.s32 $0x40, s24;
	v34 =	vshrl.u32 v41, $0x10;
	v35 =	vsel vm0, $0x1, v3;
	(xrf0) =	vadd.scan.msk.s32 $0xffff, v33;
	[tilespmem:v32+s12+$0x0] =	vst.idx.msk vm1, v28;
	v31 =	vmovc v41  }
0x20a: {  	vm2 =	vmmov vm7;
	v32 =	vor.u32 s24, v0;
	v28 =	vmovc v37;
	v33 =	vand.u32 $0xFF, v34;
	(xrf0) =	vadd.scan.msk.s32 $0xffff, v35  }
0x20b: {  	vm5 =	vlt.s32 v32, v22;
	v32 =	vmpcnt.ones.xlane vm4;
	vm6 =	veq.s32 v33, v24  }
0x20c: {  	vm1 =	vmmov vm3;
	vm3 =	vmmov vm4;
	vm4 =	vmand vm5, vm6  }
0x20d: {  	v40 =	vmpcnt.ones.xlane vm1;
	v32 =	vadd.s32 v29, v32;
	v33 =	vsel vm4, $0x1, v3;
	v35 =	vld [tilespmem:s26+$0x10]  }
0x20e: {  	v38 =	vld [tilespmem:s26+$0x0];
	(xrf0) =	vadd.scan.msk.s32 $0xffff, v33;
	v33 =	vmpcnt.ones.xlane vm2;
	v36, _, _ =	vpop (xrf0)  }
0x20f: {  	v39 =	vmpcnt.ones.xlane vm0;
	v29 =	vadd.s32 v30, v29;
	v30 =	vadd.s32 v32, v40;
	v37 =	vld [tilespmem:s26+$0xFFFFFFF0];
	v34, _, _ =	vpop (xrf0)  }
.Ltmp15:
0x210: {  	v32 =	vadd.s32 v34, v32;
	v34 =	vadd.s32 v36, v30;
	v30 =	vadd.s32 v30, v33;
	v36, _, _ =	vpop (xrf0);
	(pc) =	sbr.rel @p1 .LBB2_38-.Ltmp15, $4  }
0x211: {  	v33 =	vadd.s32 $0xFFFFFFFF, v29;
	v32 =	vadd.s32 $0xFFFFFFFF, v32;
	v29 =	vadd.s32 v36, v30  }
0x212: {  	v36 =	vadd.s32 $0xFFFFFFFF, v34;
	v40 =	vshrl.u32 v35, $0x10;
	v34 =	vadd.s32 $0xFFFFFFFF, v29  }
0x213: {  	s26 =	sadd.s32 $0x40, s26;
	v29 =	vadd.s32 v30, v39;
	v41 =	vshrl.u32 v38, $0x10;
	v42 =	vand.u32 $0xFF, v40  }
0x214: {  	s29 =	sadd.s32 $0x10, s24;
	s30 =	sadd.s32 $0x20, s24;
	s28 =	sadd.s32 $0x30, s24;
	v40 =	vshrl.u32 v37, $0x10;
	v39 =	vand.u32 $0xFF, v41;
	vm5 =	veq.s32 v42, v24;
	v30, _, _ =	vpop (xrf0)  }
0x215: {  	v41 =	vmovc v25;
	v42 =	vmov v27;
	v43 =	vmov v26;
	v44 =	vmov v28  }
0x216: {  	v25 =	vmovc v31;
	v27 =	vmovc v38;
	v26 =	vmov v35;
	v28 =	vmov v37;
	vm6 =	vmmov vm4  }
.LBB2_40:
0x217: {  	v31 =	vor.u32 s29, v0;
	v35 =	vand.u32 $0xFF, v40;
	v37 =	vor.u32 s30, v0  }
0x218: {  	vm8 =	veq.s32 v39, v24;
	v51 =	vor.u32 s28, v0;
	vm7 =	vlt.s32 v37, v22  }
0x219: {  	vm4 =	veq.s32 v35, v24;
	vm9 =	vlt.s32 v31, v22;
	vm7 =	vmand vm7, vm8  }
0x21a: {  	vm14 =	vlt.s32 v51, v22;
	vm4 =	vmand vm9, vm4;
	v52 =	vsel vm7, $0x1, v3  }
0x21b: {  	vm5 =	vmand vm14, vm5;
	v53 =	vsel vm4, $0x1, v3;
	(xrf0) =	vadd.scan.msk.s32 $0xffff, v52  }
0x21c: {  	v54 =	vsel vm5, $0x1, v3;
	(xrf0) =	vadd.scan.msk.s32 $0xffff, v53  }
0x21d: {  	(xrf0) =	vadd.scan.msk.s32 $0xffff, v54  }
0x21e: {  	v55 =	vmpcnt.ones.xlane vm6;
	vm4 =	vmmov vm4  }
0x21f: {  	v56 =	vmpcnt.ones.xlane vm4  }
0x220: {  	vm15 =	vmmov vm6;
	v31 =	vadd.s32 v29, v55;
	vm7 =	vmmov vm7  }
0x221: {  	v58 =	vadd.s32 v30, v29;
	v57 =	vmpcnt.ones.xlane vm7;
	v59 =	vadd.s32 v31, v56;
	v38, _, _ =	vpop (xrf0)  }
0x222: {  	v29 =	vadd.s32 $0xFFFFFFFF, v58;
	v60, _, _ =	vpop (xrf0);
	v38 =	vadd.s32 v38, v59  }
0x223: {  	[tilespmem:v33+s12+$0x0] =	vst.idx.msk @p0 vm3, v41;
	v30 =	vadd.s32 v59, v57;
	v61, _, _ =	vpop (xrf0);
	v63 =	vadd.s32 $0xFFFFFFFF, v38;
	v31 =	vadd.s32 v60, v31  }
0x224: {  	[tilespmem:v36+s12+$0x0] =	vst.idx.msk @p0 vm2, v42;
	v62 =	vadd.s32 v61, v30;
	v31 =	vadd.s32 $0xFFFFFFFF, v31  }
0x225: {  	[tilespmem:v34+s12+$0x0] =	vst.idx.msk @p0 vm0, v43;
	v33 =	vadd.s32 $0xFFFFFFFF, v62  }
.Ltmp16:
0x226: {  	[tilespmem:v32+s12+$0x0] =	vst.idx.msk @p0 vm1, v44;
	(pc) =	sbr.rel .LBB2_19-.Ltmp16, $4  }
0x227: {  	[tilespmem:v29+s12+$0x0] =	vst.idx.msk vm15, v25  }
0x228: {  	v25 =	vmpcnt.ones.xlane vm5;
	[tilespmem:v63+s12+$0x0] =	vst.idx.msk vm7, v27  }
0x229: {  	[tilespmem:v31+s12+$0x0] =	vst.idx.msk vm4, v28  }
0x22a: {  	v25 =	vadd.s32 v30, v25;
	[tilespmem:v33+s12+$0x0] =	vst.idx.msk vm5, v26  }
.LBB2_18:
0x22b: {  	v25 =	vimm.s32 $0x0  }
.LBB2_19:
0x22c: {  	p0 =	slt.s32 s20, $0x1  }
.Ltmp17:
0x22d: {  	_ = 	snop;
	(pc) =	sbr.rel @p0 .LBB2_22-.Ltmp17, $1  }
0x22e: {  	_ =	sdelay $0x3  }
0x22f: {  	s19 =	sadd.s32 $0x4000, s19  }
.LBB2_21:
0x230: {  	v26 =	vld [tilespmem:s19+$0x0];
	_ =	sdelay $0x4  }
0x231: {  	v27 =	vshrl.u32 v26, $0x10  }
0x232: {  	v28 =	vor.u32 s17, v0;
	v27 =	vand.u32 $0xFF, v27  }
0x233: {  	vm0 =	vlt.s32 v28, v22;
	vm1 =	veq.s32 v27, v24  }
0x234: {  	vm0 =	vmand vm0, vm1  }
0x235: {  	v27 =	vsel vm0, $0x1, v3  }
0x236: {  	(xrf0) =	vadd.scan.msk.s32 $0xffff, v27;
	_ =	sdelay $0x5  }
0x237: {  	v27, _, _ =	vpop (xrf0)  }
0x238: {  	s16 =	sadd.s32 $0x1, s16;
	v27 =	vadd.s32 v27, v25  }
0x239: {  	p0 =	slt.s32 s16, s15;
	v27 =	vadd.s32 $0xFFFFFFFF, v27  }
.Ltmp18:
0x23a: {  	_ = 	snop;
	(pc) =	sbr.rel @p0 .LBB2_21-.Ltmp18, $3  }
0x23b: {  	_ = 	snop  }
0x23c: {  	v63 =	vmpcnt.ones.xlane vm0;
	_ =	sdelay $0x1  }
0x23d: {  	s19 =	sadd.s32 $0x10, s19;
	s17 =	sadd.s32 $0x10, s17;
	v25 =	vadd.s32 v25, v63;
	[tilespmem:v27+s12+$0x0] =	vst.idx.msk vm0, v26  }
.LBB2_22:
0x23e: {  	s15 =	sadd.s32 $0xF, s23  }
0x23f: {  	s14 =	sshll.u32 s14, $0x18;
	s16 =	sshra.s32 s15, $0x1F;
	s17 =	sand.u32 $0xF, s15  }
0x240: {  	p0 =	slt.s32 s15, $0x1;
	s16 =	sshrl.u32 s16, $0x1C;
	p1 =	sne.s32 s17, $0x0  }
.Ltmp19:
0x241: {  	s16 =	sadd.s32 s16, s15;
	p0 =	por !p0, !p1;
	(pc) =	sbr.rel .LBB2_23-.Ltmp19, $4  }
0x242: {  	s29 =	sshra.s32 s16, $0x4;
	p0 =	por !p0, !p0;
	s16 =	simm.s32 $0x1  }
0x243: {  	s19 =	sshll.u32 s22, $0x10;
	s30 =	sxor.u32 $0x80000000, s14;
	s16 =	simm.s32 @!p0 $0x0  }
0x244: {  	s18 =	ssub.s32 s18, s21;
	s31 =	sor.u32 s30, s19;
	s14 =	ssub.s32 s29, s16  }
0x245: {  	v23 =	vbroadcast v23, $0xF;
	v24 =	vmov s18;
	v22 =	vmov s31;
	s15 =	simm.s32 $0x0;
	p0 =	slt.s32 s14, $0x1  }
.LBB2_43:
0x246: {  	vm0 =	vmand vm1, vm0  }
0x247: {  	v27 =	vmpcnt.ones.xlane vm0;
	_ =	sdelay $0x1  }
0x248: {  	v26 =	vadd.s32 v26, v27  }
.LBB2_24:
0x249: {  	s15 =	sadd.s32 $0x1, s15  }
0x24a: {  	p1 =	seq.s32 s15, $0x10  }
.Ltmp20:
0x24b: {  	_ = 	snop;
	(pc) =	sbr.rel @p1 .LBB2_25-.Ltmp20, $3  }
0x24c: {  	_ =	sdelay $0x1  }
0x24d: {  	vm0 =	vlt.s32 v26, v24  }
0x24e: {  	v22 =	vsel vm0, v22, v25  }
.LBB2_23:
.Ltmp21:
0x24f: {  	(pc) =	sbr.rel @p0 .LBB2_24-.Ltmp21, $3  }
0x250: {  	_ =	sdelay $0x1  }
0x251: {  	s16 =	sshrl.u32 s9, s15  }
0x252: {  	v26 =	vimm.s32 $0x0;
	v25 =	vor.u32 s16, v22  }
0x253: {  	s17 =	simm.s32 $0x6000  }
0x254: {  	p1 =	seq.s32 s14, $0x1;
	v27 =	vld [tilespmem:s17+$0x0]  }
.Ltmp22:
0x255: {  	_ = 	snop;
	(pc) =	sbr.rel @p1 .LBB2_43-.Ltmp22, $4  }
0x256: {  	_ = 	snop  }
0x257: {  	s16 =	simm.s32 $0x0  }
0x258: {  	v28 =	vor.u32 s16, v0  }
0x259: {  	s18 =	simm.s32 $0x6010;
	s17 =	sadd.s32 $0xFFFFFFFF, s14;
	vm1 =	vlt.s32 v28, v23;
	vm0 =	vge.s32 v27, v25  }
.LBB2_42:
0x25a: {  	v27 =	vld [tilespmem:s18+$0x0];
	p1 =	seq.s32 s17, $0x1;
	s17 =	sadd.s32 $0xFFFFFFFF, s17;
	vm0 =	vmand vm1, vm0  }
.Ltmp23:
0x25b: {  	v28 =	vmpcnt.ones.xlane vm0;
	(pc) =	sbr.rel @!p1 .LBB2_42-.Ltmp23, $4  }
0x25c: {  	_ = 	snop  }
0x25d: {  	s16 =	sadd.s32 $0x10, s16;
	v26 =	vadd.s32 v26, v28  }
0x25e: {  	v28 =	vor.u32 s16, v0  }
0x25f: {  	s18 =	sadd.s32 $0x10, s18;
	vm1 =	vlt.s32 v28, v23;
	vm0 =	vge.s32 v27, v25  }
.Ltmp24:
0x260: {  	_ = 	snop;
	(pc) =	sbr.rel .LBB2_43-.Ltmp24, $1  }
0x261: {  	_ =	sdelay $0x3  }
.LBB2_25:
0x262: {  	s14 =	simm.s32 $0x40  }
0x263: {  	v26 =	vld [tilespmem:s14+$0x30]  }
0x264: {  	v29 =	vld [tilespmem:s14+$0xFFFFFFD0]  }
0x265: {  	v28 =	vld [tilespmem:s14+$0xFFFFFFE0]  }
0x266: {  	v23 =	vxor.u32 $0x7FFFFFFF, v22;
	vm0 =	vlt.s32 v22, $0x0;
	v27 =	vld [tilespmem:s14+$0xFFFFFFF0]  }
0x267: {  	v22 =	vsel vm0, v23, v22;
	v25 =	vld [tilespmem:s14+$0x0]  }
0x268: {  	v24 =	vld [tilespmem:s14+$0x10];
	vm0 =	vge.f32 v26, v22  }
0x269: {  	v23 =	vld [tilespmem:s14+$0x20];
	vm1 =	vge.f32 v29, v22;
	v30 =	vnsel vm0, $0x0, v26  }
0x26a: {  	s15 =	simm.s32 $0x0;
	s16 =	simm.s32 $0xC0;
	v26 =	vld [tilespmem:s14+$0xFFFFFFC0];
	v29 =	vnsel vm1, $0x0, v29;
	vm0 =	vge.f32 v28, v22;
	[tilespmem:s14+$0x30] =	vst v30  }
.LBB2_26:
0x26b: {  	v30 =	vld [tilespmem:s16+$0x30];
	s15 =	sadd.s32 $0x8, s15;
	[tilespmem:s14+$0xFFFFFFD0] =	vst v29;
	v28 =	vnsel vm0, $0x0, v28;
	vm0 =	vge.f32 v27, v22  }
0x26c: {  	v29 =	vld [tilespmem:s16+$0xFFFFFFD0];
	p0 =	slt.u32 s15, $0x1F8;
	[tilespmem:s14+$0xFFFFFFE0] =	vst v28;
	v27 =	vnsel vm0, $0x0, v27;
	vm0 =	vge.f32 v25, v22  }
0x26d: {  	v28 =	vld [tilespmem:s16+$0xFFFFFFE0];
	[tilespmem:s14+$0xFFFFFFF0] =	vst v27;
	v25 =	vnsel vm0, $0x0, v25;
	vm0 =	vge.f32 v24, v22  }
.Ltmp25:
0x26e: {  	v27 =	vld [tilespmem:s16+$0xFFFFFFF0];
	[tilespmem:s14+$0x0] =	vst v25;
	v24 =	vnsel vm0, $0x0, v24;
	vm0 =	vge.f32 v23, v22;
	(pc) =	sbr.rel @p0 .LBB2_26-.Ltmp25, $4  }
0x26f: {  	v25 =	vld [tilespmem:s16+$0x0];
	vm1 =	vge.f32 v26, v22;
	[tilespmem:s14+$0x10] =	vst v24;
	v23 =	vnsel vm0, $0x0, v23  }
0x270: {  	v24 =	vld [tilespmem:s16+$0x10];
	vm0 =	vge.f32 v30, v22;
	v26 =	vnsel vm1, $0x0, v26;
	[tilespmem:s14+$0x20] =	vst v23  }
0x271: {  	vm1 =	vge.f32 v29, v22;
	v23 =	vld [tilespmem:s16+$0x20];
	v30 =	vnsel vm0, $0x0, v30;
	[tilespmem:s14+$0xFFFFFFC0] =	vst v26;
	s14 =	smov.u32 s16  }
0x272: {  	s16 =	sadd.s32 $0x80, s16;
	v26 =	vld [tilespmem:s14+$0xFFFFFFC0];
	v29 =	vnsel vm1, $0x0, v29;
	vm0 =	vge.f32 v28, v22;
	[tilespmem:s14+$0x30] =	vst v30  }
0x273: {  	[tilespmem:s14+$0xFFFFFFD0] =	vst v29;
	v28 =	vnsel vm0, $0x0, v28;
	vm12 =	vge.f32 v27, v22  }
0x274: {  	[tilespmem:s14+$0xFFFFFFE0] =	vst v28;
	v27 =	vnsel vm12, $0x0, v27;
	vm13 =	vge.f32 v25, v22  }
0x275: {  	[tilespmem:s14+$0xFFFFFFF0] =	vst v27;
	v25 =	vnsel vm13, $0x0, v25;
	vm14 =	vge.f32 v24, v22  }
0x276: {  	[tilespmem:s14+$0x0] =	vst v25;
	v24 =	vnsel vm14, $0x0, v24;
	vm15 =	vge.f32 v23, v22  }
0x277: {  	vm1 =	vge.f32 v26, v22;
	[tilespmem:s14+$0x10] =	vst v24;
	v22 =	vnsel vm15, $0x0, v23  }
0x278: {  	s13 =	sadd.s32 $0x1, s13;
	v23 =	vnsel vm1, $0x0, v26;
	[tilespmem:s14+$0x20] =	vst v22  }
0x279: {  	p0 =	sne.s32 s13, s5;
	[tilespmem:s14+$0xFFFFFFC0] =	vst v23  }
0x27a: {  	[hbm4b:s4+s6] =	stream.strided.scatter [tilespmem:s2], [sflag:$0x1], $0x2000, s7, s6, $0x38;
	[tilespmem:$0x9180] =	vst v63  }
.Ltmp26:
0x27b: {  	_ = 	snop;
	(pc) =	sbr.rel @p0 .LBB2_1-.Ltmp26, $4  }
.Ltmp27:
0x27c: {  	_ = 	snop;
	(pc) =	sbr.rel @!p0 .LBB2_28-.Ltmp27, $4  }
0x27d: {  	_ =	swait.ge [sflag:s8], $0x2000  }
0x27e: {  	[sflag:s8] =	ssyncset.done $0x0  }
0x27f: {  	[sflag:s8] =	ssyncadd.s32 $0xFFFFE000  }
0x280: {  	_ = 	snop  }
.LBB2_13:
.Ltmp28:
0x281: {  	(pc) =	sbr.rel .LBB2_31-.Ltmp28, $2  }
0x282: {  	_ =	sdelay $0x2  }
0x283: {  	_ = 	snop  }
.LBB2_35:
.Ltmp29:
0x284: {  	(pc) =	sbr.rel .LBB2_40-.Ltmp29, $2  }
0x285: {  	_ =	sdelay $0x2  }
0x286: {  	_ = 	snop  }
.LBB2_37:
.Ltmp30:
0x287: {  	(pc) =	sbr.rel .LBB2_40-.Ltmp30, $3  }
0x288: {  	_ =	sdelay $0x1  }
0x289: {  	v41 =	vmovc v25;
	v42 =	vmov v27;
	v43 =	vmov v26;
	v44 =	vmov v28  }
0x28a: {  	v25 =	vmovc v31;
	v27 =	vmovc v38;
	v26 =	vmov v35;
	v28 =	vmov v37;
	vm6 =	vmmov vm4  }
.LBB2_28:
0x28b: {  	_ =	sfence.sel $0x180000  }
0x28c: {  	[bflag:$0x0] =	sbarrier.arrive $0xFFFF  }
0x28d: {  	p0 =	sne.s32 s1, $0x0;
	_ =	strace $0x90000047  }
0x28e: {  	s0 =	sadd.s32 @!p0 $0x100000, s0;
	[bflag:$0x2] =	sbarrier.arrive $0xFFFF  }
0x28f: {  	[sflag:s0] =	ssyncadd.tile.s32 @!p0 $0x1;
	_ =	shalt  }
.Lfunc_end2:
_tile_overlayer_lowered:
.L_overlay_start_2:
0x290: {  	(tag) =	ssettag $0x2  }
0x291: {  	s0 =	rddreg [dreg:$0x0];
	s2 =	stileid.u32  }
0x292: {  	s1 =	rddreg [dreg:$0x1];
	p0 =	sne.s32 s2, $0x0  }
0x293: {  	s3 =	rddreg [dreg:$0x2];
	[bflag:$0x3] =	sbarrier.arrive $0xFFFF;
	s2 =	simm.s32 @!p0 $0x1C01  }
0x294: {  	[timem:s3], [sflag:s2] =	dma.local @!p0 [hbm:s0], s1  }
0x295: {  	s0 =	simm.s32 @!p0 $0x1  }
0x296: {  	_ =	swait.ge @!p0 [sflag:s0], s1  }
0x297: {  	s1 =	ssub.s32 @!p0 $0x0, s1;
	[sflag:s0] =	ssyncset.done @!p0 $0x0  }
0x298: {  	[sflag:s0] =	ssyncadd.s32 @!p0 s1  }
0x299: {  	[bflag:$0x3] =	sbarrier.arrive $0xFFFF  }
0x29a: {  	_ =	shalt  }

</sc_bundles>
